<compile_context>
chip_gen: v7x
topology: tpu7x:2x2x1
jax: 0.10.2.dev20260603
libtpu: 0.0.44.dev20260713+nightly
codegen_flags: <defaults>
</compile_context>

<pallas_src>
import functools

import jax
import jax.numpy as jnp
from jax import lax
from jax.experimental import pallas as pl
from jax.experimental.pallas import tpu as pltpu
from jax.experimental.pallas import tpu_sc as plsc

_NC = 2
_NS = 16
_NW = _NC * _NS
_CHUNK = 128
_BV = 8192
_QV = _BV // 4


def _tc_relayout_packed(embT):
    d, v = embT.shape
    n_blocks = -(-v // _BV)

    def pack(a, b):
        au = lax.bitcast_convert_type(
            a.astype(jnp.bfloat16), jnp.uint16).astype(jnp.uint32)
        bu = lax.bitcast_convert_type(
            b.astype(jnp.bfloat16), jnp.uint16).astype(jnp.uint32)
        return lax.bitcast_convert_type(au | (bu << 16), jnp.float32)

    def body(in_ref, out_ref):
        x = in_ref[...]
        t = [jnp.transpose(x[:, j * _QV:(j + 1) * _QV], (1, 0))
             for j in range(4)]
        out_ref[:, :d] = pack(t[0], t[1])
        out_ref[:, d:] = pack(t[2], t[3])

    return pl.pallas_call(
        body,
        grid=(n_blocks,),
        in_specs=[pl.BlockSpec((d, _BV), lambda i: (0, i))],
        out_specs=pl.BlockSpec((_QV, 2 * d), lambda i: (i, 0)),
        out_shape=jax.ShapeDtypeStruct((n_blocks * _QV, 2 * d), jnp.float32),
    )(embT)


def _sc_gather(idx2d, table2, n_chunks):
    m = idx2d.shape[0] * idx2d.shape[1]
    d2 = table2.shape[1]
    b_per_w = n_chunks * _CHUNK
    mesh = plsc.VectorSubcoreMesh(core_axis_name="c", subcore_axis_name="s")

    @functools.partial(
        pl.kernel,
        mesh=mesh,
        out_type=jax.ShapeDtypeStruct((m, d2), jnp.float32),
        scratch_types=[
            pltpu.VMEM((n_chunks, _CHUNK), jnp.int32),
            pltpu.VMEM((b_per_w, d2), jnp.float32),
            pltpu.SemaphoreType.DMA,
        ],
    )
    def gather_kernel(idx_hbm, table_hbm, out_hbm, idx_v, rows_v, sem):
        wid = lax.axis_index("s") * _NC + lax.axis_index("c")
        pltpu.sync_copy(idx_hbm.at[pl.ds(wid * n_chunks, n_chunks)], idx_v)
        for g in range(n_chunks):
            for h in range(_CHUNK // 16):
                v = idx_v[g, pl.ds(h * 16, 16)]
                idx_v[g, pl.ds(h * 16, 16)] = (
                    (v >> 13) * _QV + (v & (_QV - 1)))
        copies = []
        for j in range(n_chunks):
            copies.append(
                pltpu.async_copy(
                    table_hbm.at[idx_v.at[j]],
                    rows_v.at[pl.ds(j * _CHUNK, _CHUNK)],
                    sem,
                )
            )
        for c in copies:
            c.wait()
        pltpu.sync_copy(rows_v, out_hbm.at[pl.ds(wid * b_per_w, b_per_w)])

    return gather_kernel(idx2d, table2)


def _tc_select_matmul(ve2, tok2, w, block_m):
    m, d2 = ve2.shape
    d = d2 // 2
    dm = w.shape[0]

    def mm_body(ve2_ref, tok_ref, w_ref, out_ref):
        x = ve2_ref[...]
        slot = (tok_ref[...] & (_BV - 1)) >> 11
        half = jnp.where(slot >= 2, x[:, d:], x[:, :d])
        u = lax.bitcast_convert_type(half, jnp.uint32)
        lo_f = lax.bitcast_convert_type(u << 16, jnp.float32)
        hi_f = lax.bitcast_convert_type(u & jnp.uint32(0xFFFF0000),
                                        jnp.float32)
        ve = jnp.where((slot & 1) > 0, hi_f, lo_f)
        out_ref[...] = lax.dot_general(
            ve,
            w_ref[...],
            (((1,), (1,)), ((), ())),
            preferred_element_type=jnp.float32,
        )

    return pl.pallas_call(
        mm_body,
        grid=(m // block_m,),
        in_specs=[
            pl.BlockSpec((block_m, d2), lambda i: (i, 0)),
            pl.BlockSpec((block_m, 1), lambda i: (i, 0)),
            pl.BlockSpec((dm, d), lambda i: (0, 0)),
        ],
        out_specs=pl.BlockSpec((block_m, dm), lambda i: (i, 0)),
        out_shape=jax.ShapeDtypeStruct((m, dm), jnp.float32),
    )(ve2, tok2, w)


def kernel(tokens, emb, W):
    b, s = tokens.shape
    m = b * s
    v, d = emb.shape
    dm = W.shape[0]
    n_chunks = m // (_NW * _CHUNK)
    tok = tokens.reshape(m).astype(jnp.int32)
    tok2d = tok.reshape(_NW * n_chunks, _CHUNK)
    table2 = _tc_relayout_packed(emb.T)
    ve2 = _sc_gather(tok2d, table2, n_chunks)
    out = _tc_select_matmul(ve2, tok.reshape(m, 1), W, 2048)
    return out.reshape(b, s, dm)

# --- scband reference (transcript-rebuilt; emitter-appended) ---
"""Pipeline reference for scband-factored-vocab-embed-3719441678350 (READ-ONLY COPY).

The authoritative reference and input builder live on the scoring server;
editing this copy changes nothing except your own understanding.
"""

import jax, jax.numpy as jnp
import numpy as np

VOCAB = 1000000
VE_DIM = 64
D_MODEL = 1024
B, S = 4, 4096


def setup_inputs(seed: int = 0) -> dict:
    key = jax.random.key(seed)
    k_tok, k_emb, k_w = jax.random.split(key, 3)
    tokens = jax.random.randint(k_tok, (B, S), 0, VOCAB, dtype=jnp.int64) if jax.config.jax_enable_x64 else jax.random.randint(k_tok, (B, S), 0, VOCAB, dtype=jnp.int32)
    emb = jax.random.normal(k_emb, (VOCAB, VE_DIM), dtype=jnp.float32) * 0.02
    W = jax.random.normal(k_w, (D_MODEL, VE_DIM), dtype=jnp.float32) * (1.0 / np.sqrt(VE_DIM))
    return {"tokens": tokens, "emb": emb, "W": W}


def reference(tokens, emb, W):
    # nn.Embedding: gather rows of the table
    ve = jnp.take(emb, tokens, axis=0)  # [B, S, VE_DIM]
    # nn.Linear(ve_dim, d_model, bias=False): x @ W.T with W [d_model, ve_dim]
    out = ve @ W.T  # [B, S, D_MODEL]
    return out

if __name__ == "__main__":
    import jax
    _d = setup_inputs()
    print(jax.jit(kernel)(*tuple(_d.values())))

</pallas_src>

<mosaic_0001>
#map = affine_map<(d0, d1) -> (0, 0)>
module attributes {stable_mosaic.version = 14 : i64} {
  func.func @gather_kernel(%arg0: i32, %arg1: i32, %arg2: memref<128x128xi32, #tpu.memory_space<hbm>>, %arg3: memref<251904x128xf32, #tpu.memory_space<hbm>>, %arg4: memref<16384x128xf32, #tpu.memory_space<hbm>>, %arg5: memref<4x128xi32, #tpu.memory_space<vmem>>, %arg6: memref<512x128xf32, #tpu.memory_space<vmem>>, %arg7: memref<!tpu.dma_semaphore, #tpu.memory_space<semaphore_mem>>) attributes {dimension_semantics = [#tpu.dimension_semantics<core_parallel>, #tpu.dimension_semantics<subcore_parallel>], iteration_bounds = array<i64: 2, 16>, scalar_prefetch = 0 : i64, scratch_operands = 3 : i64, tpu.core_type = #tpu.core_type<sc_vector_subcore>, window_params = [{transform_indices = #map}, {transform_indices = #map}, {transform_indices = #map}]} {
    %mul3A = arith.constant 2 : i32
    %mul3A_0 = arith.muli %arg1, %mul3A : i32
    %add3A = arith.addi %mul3A_0, %arg0 : i32
    %mul3A_1 = arith.constant 4 : i32
    %mul3A_2 = arith.muli %add3A, %mul3A_1 : i32
    "tpu.region"() ({
      %run_scoped3A = tpu.sem_alloc : memref<!tpu.dma_semaphore, #tpu.memory_space<semaphore_mem>>
      %dma_start3A_751 = arith.constant 0 : i32
      %dma_start3A_752 = tpu.memref_slice %arg2[%mul3A_2, %dma_start3A_751] : memref<128x128xi32, #tpu.memory_space<hbm>> -> memref<4x128xi32, #tpu.memory_space<hbm>>
      %dma_start3A_753 = arith.constant 0 : i32
      %dma_start3A_754 = tpu.memref_slice %arg2[%mul3A_2, %dma_start3A_753] : memref<128x128xi32, #tpu.memory_space<hbm>> -> memref<4x128xi32, #tpu.memory_space<hbm>>
      tpu.enqueue_dma source(%dma_start3A_754 : memref<4x128xi32, #tpu.memory_space<hbm>>) target(%arg5 : memref<4x128xi32, #tpu.memory_space<vmem>>) target_semaphore(%run_scoped3A : memref<!tpu.dma_semaphore, #tpu.memory_space<semaphore_mem>>)
      %dma_wait3A_755 = arith.constant 0 : i32
      %dma_wait3A_756 = tpu.memref_slice %arg2[%mul3A_2, %dma_wait3A_755] : memref<128x128xi32, #tpu.memory_space<hbm>> -> memref<4x128xi32, #tpu.memory_space<hbm>>
      %dma_wait3A_757 = arith.constant 0 : i32
      %dma_wait3A_758 = tpu.memref_slice %arg2[%mul3A_2, %dma_wait3A_757] : memref<128x128xi32, #tpu.memory_space<hbm>> -> memref<4x128xi32, #tpu.memory_space<hbm>>
      tpu.wait_dma2 semaphore(%run_scoped3A : memref<!tpu.dma_semaphore, #tpu.memory_space<semaphore_mem>>) src(%dma_wait3A_758 : memref<4x128xi32, #tpu.memory_space<hbm>>) dst(%arg5 : memref<4x128xi32, #tpu.memory_space<vmem>>)
      tpu.yield
    }) : () -> ()
    %get3A = arith.constant 0 : i32
    %get3A_3 = arith.index_cast %get3A : i32 to index
    %get3A_4 = arith.constant 0 : index
    %get3A_5 = tpu.vector_load %arg5[%get3A_3, %get3A_4] {strides = array<i32>} : memref<4x128xi32, #tpu.memory_space<vmem>>, vector<1x16xi32>,
    %get3A_6 = vector.shape_cast %get3A_5 : vector<1x16xi32> to vector<16xi32>
    %shift_right_arithmetic3A = arith.constant 13 : i32
    %shift_right_arithmetic3A_7 = vector.broadcast %shift_right_arithmetic3A : i32 to vector<16xi32>
    %shift_right_arithmetic3A_8 = arith.shrsi %get3A_6, %shift_right_arithmetic3A_7 : vector<16xi32>
    %mul3A_9 = arith.constant 2048 : i32
    %mul3A_10 = vector.broadcast %mul3A_9 : i32 to vector<16xi32>
    %mul3A_11 = arith.muli %shift_right_arithmetic3A_8, %mul3A_10 : vector<16xi32>
    %and3A = arith.constant 2047 : i32
    %and3A_12 = vector.broadcast %and3A : i32 to vector<16xi32>
    %and3A_13 = arith.andi %get3A_6, %and3A_12 : vector<16xi32>
    %add3A_14 = arith.addi %mul3A_11, %and3A_13 : vector<16xi32>
    %swap3A = arith.constant 0 : i32
    %swap3A_15 = arith.index_cast %swap3A : i32 to index
    %swap3A_16 = arith.constant 0 : index
    %swap3A_17 = tpu.vector_load %arg5[%swap3A_15, %swap3A_16] {strides = array<i32>} : memref<4x128xi32, #tpu.memory_space<vmem>>, vector<1x16xi32>,
    %swap3A_18 = vector.shape_cast %swap3A_17 : vector<1x16xi32> to vector<16xi32>
    %swap3A_19 = vector.shape_cast %add3A_14 : vector<16xi32> to vector<1x16xi32>
    tpu.vector_store %arg5[%swap3A_15, %swap3A_16], %swap3A_19 {strides = array<i32>} : memref<4x128xi32, #tpu.memory_space<vmem>>, vector<1x16xi32>,
    %get3A_20 = arith.constant 0 : i32
    %get3A_21 = arith.index_cast %get3A_20 : i32 to index
    %get3A_22 = arith.constant 16 : index
    %get3A_23 = tpu.vector_load %arg5[%get3A_21, %get3A_22] {strides = array<i32>} : memref<4x128xi32, #tpu.memory_space<vmem>>, vector<1x16xi32>,
    %get3A_24 = vector.shape_cast %get3A_23 : vector<1x16xi32> to vector<16xi32>
    %shift_right_arithmetic3A_25 = arith.constant 13 : i32
    %shift_right_arithmetic3A_26 = vector.broadcast %shift_right_arithmetic3A_25 : i32 to vector<16xi32>
    %shift_right_arithmetic3A_27 = arith.shrsi %get3A_24, %shift_right_arithmetic3A_26 : vector<16xi32>
    %mul3A_28 = arith.constant 2048 : i32
    %mul3A_29 = vector.broadcast %mul3A_28 : i32 to vector<16xi32>
    %mul3A_30 = arith.muli %shift_right_arithmetic3A_27, %mul3A_29 : vector<16xi32>
    %and3A_31 = arith.constant 2047 : i32
    %and3A_32 = vector.broadcast %and3A_31 : i32 to vector<16xi32>
    %and3A_33 = arith.andi %get3A_24, %and3A_32 : vector<16xi32>
    %add3A_34 = arith.addi %mul3A_30, %and3A_33 : vector<16xi32>
    %swap3A_35 = arith.constant 0 : i32
    %swap3A_36 = arith.index_cast %swap3A_35 : i32 to index
    %swap3A_37 = arith.constant 16 : index
    %swap3A_38 = tpu.vector_load %arg5[%swap3A_36, %swap3A_37] {strides = array<i32>} : memref<4x128xi32, #tpu.memory_space<vmem>>, vector<1x16xi32>,
    %swap3A_39 = vector.shape_cast %swap3A_38 : vector<1x16xi32> to vector<16xi32>
    %swap3A_40 = vector.shape_cast %add3A_34 : vector<16xi32> to vector<1x16xi32>
    tpu.vector_store %arg5[%swap3A_36, %swap3A_37], %swap3A_40 {strides = array<i32>} : memref<4x128xi32, #tpu.memory_space<vmem>>, vector<1x16xi32>,
    %get3A_41 = arith.constant 0 : i32
    %get3A_42 = arith.index_cast %get3A_41 : i32 to index
    %get3A_43 = arith.constant 32 : index
    %get3A_44 = tpu.vector_load %arg5[%get3A_42, %get3A_43] {strides = array<i32>} : memref<4x128xi32, #tpu.memory_space<vmem>>, vector<1x16xi32>,
    %get3A_45 = vector.shape_cast %get3A_44 : vector<1x16xi32> to vector<16xi32>
    %shift_right_arithmetic3A_46 = arith.constant 13 : i32
    %shift_right_arithmetic3A_47 = vector.broadcast %shift_right_arithmetic3A_46 : i32 to vector<16xi32>
    %shift_right_arithmetic3A_48 = arith.shrsi %get3A_45, %shift_right_arithmetic3A_47 : vector<16xi32>
    %mul3A_49 = arith.constant 2048 : i32
    %mul3A_50 = vector.broadcast %mul3A_49 : i32 to vector<16xi32>
    %mul3A_51 = arith.muli %shift_right_arithmetic3A_48, %mul3A_50 : vector<16xi32>
    %and3A_52 = arith.constant 2047 : i32
    %and3A_53 = vector.broadcast %and3A_52 : i32 to vector<16xi32>
    %and3A_54 = arith.andi %get3A_45, %and3A_53 : vector<16xi32>
    %add3A_55 = arith.addi %mul3A_51, %and3A_54 : vector<16xi32>
    %swap3A_56 = arith.constant 0 : i32
    %swap3A_57 = arith.index_cast %swap3A_56 : i32 to index
    %swap3A_58 = arith.constant 32 : index
    %swap3A_59 = tpu.vector_load %arg5[%swap3A_57, %swap3A_58] {strides = array<i32>} : memref<4x128xi32, #tpu.memory_space<vmem>>, vector<1x16xi32>,
    %swap3A_60 = vector.shape_cast %swap3A_59 : vector<1x16xi32> to vector<16xi32>
    %swap3A_61 = vector.shape_cast %add3A_55 : vector<16xi32> to vector<1x16xi32>
    tpu.vector_store %arg5[%swap3A_57, %swap3A_58], %swap3A_61 {strides = array<i32>} : memref<4x128xi32, #tpu.memory_space<vmem>>, vector<1x16xi32>,
    %get3A_62 = arith.constant 0 : i32
    %get3A_63 = arith.index_cast %get3A_62 : i32 to index
    %get3A_64 = arith.constant 48 : index
    %get3A_65 = tpu.vector_load %arg5[%get3A_63, %get3A_64] {strides = array<i32>} : memref<4x128xi32, #tpu.memory_space<vmem>>, vector<1x16xi32>,
    %get3A_66 = vector.shape_cast %get3A_65 : vector<1x16xi32> to vector<16xi32>
    %shift_right_arithmetic3A_67 = arith.constant 13 : i32
    %shift_right_arithmetic3A_68 = vector.broadcast %shift_right_arithmetic3A_67 : i32 to vector<16xi32>
    %shift_right_arithmetic3A_69 = arith.shrsi %get3A_66, %shift_right_arithmetic3A_68 : vector<16xi32>
    %mul3A_70 = arith.constant 2048 : i32
    %mul3A_71 = vector.broadcast %mul3A_70 : i32 to vector<16xi32>
    %mul3A_72 = arith.muli %shift_right_arithmetic3A_69, %mul3A_71 : vector<16xi32>
    %and3A_73 = arith.constant 2047 : i32
    %and3A_74 = vector.broadcast %and3A_73 : i32 to vector<16xi32>
    %and3A_75 = arith.andi %get3A_66, %and3A_74 : vector<16xi32>
    %add3A_76 = arith.addi %mul3A_72, %and3A_75 : vector<16xi32>
    %swap3A_77 = arith.constant 0 : i32
    %swap3A_78 = arith.index_cast %swap3A_77 : i32 to index
    %swap3A_79 = arith.constant 48 : index
    %swap3A_80 = tpu.vector_load %arg5[%swap3A_78, %swap3A_79] {strides = array<i32>} : memref<4x128xi32, #tpu.memory_space<vmem>>, vector<1x16xi32>,
    %swap3A_81 = vector.shape_cast %swap3A_80 : vector<1x16xi32> to vector<16xi32>
    %swap3A_82 = vector.shape_cast %add3A_76 : vector<16xi32> to vector<1x16xi32>
    tpu.vector_store %arg5[%swap3A_78, %swap3A_79], %swap3A_82 {strides = array<i32>} : memref<4x128xi32, #tpu.memory_space<vmem>>, vector<1x16xi32>,
    %get3A_83 = arith.constant 0 : i32
    %get3A_84 = arith.index_cast %get3A_83 : i32 to index
    %get3A_85 = arith.constant 64 : index
    %get3A_86 = tpu.vector_load %arg5[%get3A_84, %get3A_85] {strides = array<i32>} : memref<4x128xi32, #tpu.memory_space<vmem>>, vector<1x16xi32>,
    %get3A_87 = vector.shape_cast %get3A_86 : vector<1x16xi32> to vector<16xi32>
    %shift_right_arithmetic3A_88 = arith.constant 13 : i32
    %shift_right_arithmetic3A_89 = vector.broadcast %shift_right_arithmetic3A_88 : i32 to vector<16xi32>
    %shift_right_arithmetic3A_90 = arith.shrsi %get3A_87, %shift_right_arithmetic3A_89 : vector<16xi32>
    %mul3A_91 = arith.constant 2048 : i32
    %mul3A_92 = vector.broadcast %mul3A_91 : i32 to vector<16xi32>
    %mul3A_93 = arith.muli %shift_right_arithmetic3A_90, %mul3A_92 : vector<16xi32>
    %and3A_94 = arith.constant 2047 : i32
    %and3A_95 = vector.broadcast %and3A_94 : i32 to vector<16xi32>
    %and3A_96 = arith.andi %get3A_87, %and3A_95 : vector<16xi32>
    %add3A_97 = arith.addi %mul3A_93, %and3A_96 : vector<16xi32>
    %swap3A_98 = arith.constant 0 : i32
    %swap3A_99 = arith.index_cast %swap3A_98 : i32 to index
    %swap3A_100 = arith.constant 64 : index
    %swap3A_101 = tpu.vector_load %arg5[%swap3A_99, %swap3A_100] {strides = array<i32>} : memref<4x128xi32, #tpu.memory_space<vmem>>, vector<1x16xi32>,
    %swap3A_102 = vector.shape_cast %swap3A_101 : vector<1x16xi32> to vector<16xi32>
    %swap3A_103 = vector.shape_cast %add3A_97 : vector<16xi32> to vector<1x16xi32>
    tpu.vector_store %arg5[%swap3A_99, %swap3A_100], %swap3A_103 {strides = array<i32>} : memref<4x128xi32, #tpu.memory_space<vmem>>, vector<1x16xi32>,
    %get3A_104 = arith.constant 0 : i32
    %get3A_105 = arith.index_cast %get3A_104 : i32 to index
    %get3A_106 = arith.constant 80 : index
    %get3A_107 = tpu.vector_load %arg5[%get3A_105, %get3A_106] {strides = array<i32>} : memref<4x128xi32, #tpu.memory_space<vmem>>, vector<1x16xi32>,
    %get3A_108 = vector.shape_cast %get3A_107 : vector<1x16xi32> to vector<16xi32>
    %shift_right_arithmetic3A_109 = arith.constant 13 : i32
    %shift_right_arithmetic3A_110 = vector.broadcast %shift_right_arithmetic3A_109 : i32 to vector<16xi32>
    %shift_right_arithmetic3A_111 = arith.shrsi %get3A_108, %shift_right_arithmetic3A_110 : vector<16xi32>
    %mul3A_112 = arith.constant 2048 : i32
    %mul3A_113 = vector.broadcast %mul3A_112 : i32 to vector<16xi32>
    %mul3A_114 = arith.muli %shift_right_arithmetic3A_111, %mul3A_113 : vector<16xi32>
    %and3A_115 = arith.constant 2047 : i32
    %and3A_116 = vector.broadcast %and3A_115 : i32 to vector<16xi32>
    %and3A_117 = arith.andi %get3A_108, %and3A_116 : vector<16xi32>
    %add3A_118 = arith.addi %mul3A_114, %and3A_117 : vector<16xi32>
    %swap3A_119 = arith.constant 0 : i32
    %swap3A_120 = arith.index_cast %swap3A_119 : i32 to index
    %swap3A_121 = arith.constant 80 : index
    %swap3A_122 = tpu.vector_load %arg5[%swap3A_120, %swap3A_121] {strides = array<i32>} : memref<4x128xi32, #tpu.memory_space<vmem>>, vector<1x16xi32>,
    %swap3A_123 = vector.shape_cast %swap3A_122 : vector<1x16xi32> to vector<16xi32>
    %swap3A_124 = vector.shape_cast %add3A_118 : vector<16xi32> to vector<1x16xi32>
    tpu.vector_store %arg5[%swap3A_120, %swap3A_121], %swap3A_124 {strides = array<i32>} : memref<4x128xi32, #tpu.memory_space<vmem>>, vector<1x16xi32>,
    %get3A_125 = arith.constant 0 : i32
    %get3A_126 = arith.index_cast %get3A_125 : i32 to index
    %get3A_127 = arith.constant 96 : index
    %get3A_128 = tpu.vector_load %arg5[%get3A_126, %get3A_127] {strides = array<i32>} : memref<4x128xi32, #tpu.memory_space<vmem>>, vector<1x16xi32>,
    %get3A_129 = vector.shape_cast %get3A_128 : vector<1x16xi32> to vector<16xi32>
    %shift_right_arithmetic3A_130 = arith.constant 13 : i32
    %shift_right_arithmetic3A_131 = vector.broadcast %shift_right_arithmetic3A_130 : i32 to vector<16xi32>
    %shift_right_arithmetic3A_132 = arith.shrsi %get3A_129, %shift_right_arithmetic3A_131 : vector<16xi32>
    %mul3A_133 = arith.constant 2048 : i32
    %mul3A_134 = vector.broadcast %mul3A_133 : i32 to vector<16xi32>
    %mul3A_135 = arith.muli %shift_right_arithmetic3A_132, %mul3A_134 : vector<16xi32>
    %and3A_136 = arith.constant 2047 : i32
    %and3A_137 = vector.broadcast %and3A_136 : i32 to vector<16xi32>
    %and3A_138 = arith.andi %get3A_129, %and3A_137 : vector<16xi32>
    %add3A_139 = arith.addi %mul3A_135, %and3A_138 : vector<16xi32>
    %swap3A_140 = arith.constant 0 : i32
    %swap3A_141 = arith.index_cast %swap3A_140 : i32 to index
    %swap3A_142 = arith.constant 96 : index
    %swap3A_143 = tpu.vector_load %arg5[%swap3A_141, %swap3A_142] {strides = array<i32>} : memref<4x128xi32, #tpu.memory_space<vmem>>, vector<1x16xi32>,
    %swap3A_144 = vector.shape_cast %swap3A_143 : vector<1x16xi32> to vector<16xi32>
    %swap3A_145 = vector.shape_cast %add3A_139 : vector<16xi32> to vector<1x16xi32>
    tpu.vector_store %arg5[%swap3A_141, %swap3A_142], %swap3A_145 {strides = array<i32>} : memref<4x128xi32, #tpu.memory_space<vmem>>, vector<1x16xi32>,
    %get3A_146 = arith.constant 0 : i32
    %get3A_147 = arith.index_cast %get3A_146 : i32 to index
    %get3A_148 = arith.constant 112 : index
    %get3A_149 = tpu.vector_load %arg5[%get3A_147, %get3A_148] {strides = array<i32>} : memref<4x128xi32, #tpu.memory_space<vmem>>, vector<1x16xi32>,
    %get3A_150 = vector.shape_cast %get3A_149 : vector<1x16xi32> to vector<16xi32>
    %shift_right_arithmetic3A_151 = arith.constant 13 : i32
    %shift_right_arithmetic3A_152 = vector.broadcast %shift_right_arithmetic3A_151 : i32 to vector<16xi32>
    %shift_right_arithmetic3A_153 = arith.shrsi %get3A_150, %shift_right_arithmetic3A_152 : vector<16xi32>
    %mul3A_154 = arith.constant 2048 : i32
    %mul3A_155 = vector.broadcast %mul3A_154 : i32 to vector<16xi32>
    %mul3A_156 = arith.muli %shift_right_arithmetic3A_153, %mul3A_155 : vector<16xi32>
    %and3A_157 = arith.constant 2047 : i32
    %and3A_158 = vector.broadcast %and3A_157 : i32 to vector<16xi32>
    %and3A_159 = arith.andi %get3A_150, %and3A_158 : vector<16xi32>
    %add3A_160 = arith.addi %mul3A_156, %and3A_159 : vector<16xi32>
    %swap3A_161 = arith.constant 0 : i32
    %swap3A_162 = arith.index_cast %swap3A_161 : i32 to index
    %swap3A_163 = arith.constant 112 : index
    %swap3A_164 = tpu.vector_load %arg5[%swap3A_162, %swap3A_163] {strides = array<i32>} : memref<4x128xi32, #tpu.memory_space<vmem>>, vector<1x16xi32>,
    %swap3A_165 = vector.shape_cast %swap3A_164 : vector<1x16xi32> to vector<16xi32>
    %swap3A_166 = vector.shape_cast %add3A_160 : vector<16xi32> to vector<1x16xi32>
    tpu.vector_store %arg5[%swap3A_162, %swap3A_163], %swap3A_166 {strides = array<i32>} : memref<4x128xi32, #tpu.memory_space<vmem>>, vector<1x16xi32>,
    %get3A_167 = arith.constant 1 : i32
    %get3A_168 = arith.index_cast %get3A_167 : i32 to index
    %get3A_169 = arith.constant 0 : index
    %get3A_170 = tpu.vector_load %arg5[%get3A_168, %get3A_169] {strides = array<i32>} : memref<4x128xi32, #tpu.memory_space<vmem>>, vector<1x16xi32>,
    %get3A_171 = vector.shape_cast %get3A_170 : vector<1x16xi32> to vector<16xi32>
    %shift_right_arithmetic3A_172 = arith.constant 13 : i32
    %shift_right_arithmetic3A_173 = vector.broadcast %shift_right_arithmetic3A_172 : i32 to vector<16xi32>
    %shift_right_arithmetic3A_174 = arith.shrsi %get3A_171, %shift_right_arithmetic3A_173 : vector<16xi32>
    %mul3A_175 = arith.constant 2048 : i32
    %mul3A_176 = vector.broadcast %mul3A_175 : i32 to vector<16xi32>
    %mul3A_177 = arith.muli %shift_right_arithmetic3A_174, %mul3A_176 : vector<16xi32>
    %and3A_178 = arith.constant 2047 : i32
    %and3A_179 = vector.broadcast %and3A_178 : i32 to vector<16xi32>
    %and3A_180 = arith.andi %get3A_171, %and3A_179 : vector<16xi32>
    %add3A_181 = arith.addi %mul3A_177, %and3A_180 : vector<16xi32>
    %swap3A_182 = arith.constant 1 : i32
    %swap3A_183 = arith.index_cast %swap3A_182 : i32 to index
    %swap3A_184 = arith.constant 0 : index
    %swap3A_185 = tpu.vector_load %arg5[%swap3A_183, %swap3A_184] {strides = array<i32>} : memref<4x128xi32, #tpu.memory_space<vmem>>, vector<1x16xi32>,
    %swap3A_186 = vector.shape_cast %swap3A_185 : vector<1x16xi32> to vector<16xi32>
    %swap3A_187 = vector.shape_cast %add3A_181 : vector<16xi32> to vector<1x16xi32>
    tpu.vector_store %arg5[%swap3A_183, %swap3A_184], %swap3A_187 {strides = array<i32>} : memref<4x128xi32, #tpu.memory_space<vmem>>, vector<1x16xi32>,
    %get3A_188 = arith.constant 1 : i32
    %get3A_189 = arith.index_cast %get3A_188 : i32 to index
    %get3A_190 = arith.constant 16 : index
    %get3A_191 = tpu.vector_load %arg5[%get3A_189, %get3A_190] {strides = array<i32>} : memref<4x128xi32, #tpu.memory_space<vmem>>, vector<1x16xi32>,
    %get3A_192 = vector.shape_cast %get3A_191 : vector<1x16xi32> to vector<16xi32>
    %shift_right_arithmetic3A_193 = arith.constant 13 : i32
    %shift_right_arithmetic3A_194 = vector.broadcast %shift_right_arithmetic3A_193 : i32 to vector<16xi32>
    %shift_right_arithmetic3A_195 = arith.shrsi %get3A_192, %shift_right_arithmetic3A_194 : vector<16xi32>
    %mul3A_196 = arith.constant 2048 : i32
    %mul3A_197 = vector.broadcast %mul3A_196 : i32 to vector<16xi32>
    %mul3A_198 = arith.muli %shift_right_arithmetic3A_195, %mul3A_197 : vector<16xi32>
    %and3A_199 = arith.constant 2047 : i32
    %and3A_200 = vector.broadcast %and3A_199 : i32 to vector<16xi32>
    %and3A_201 = arith.andi %get3A_192, %and3A_200 : vector<16xi32>
    %add3A_202 = arith.addi %mul3A_198, %and3A_201 : vector<16xi32>
    %swap3A_203 = arith.constant 1 : i32
    %swap3A_204 = arith.index_cast %swap3A_203 : i32 to index
    %swap3A_205 = arith.constant 16 : index
    %swap3A_206 = tpu.vector_load %arg5[%swap3A_204, %swap3A_205] {strides = array<i32>} : memref<4x128xi32, #tpu.memory_space<vmem>>, vector<1x16xi32>,
    %swap3A_207 = vector.shape_cast %swap3A_206 : vector<1x16xi32> to vector<16xi32>
    %swap3A_208 = vector.shape_cast %add3A_202 : vector<16xi32> to vector<1x16xi32>
    tpu.vector_store %arg5[%swap3A_204, %swap3A_205], %swap3A_208 {strides = array<i32>} : memref<4x128xi32, #tpu.memory_space<vmem>>, vector<1x16xi32>,
    %get3A_209 = arith.constant 1 : i32
    %get3A_210 = arith.index_cast %get3A_209 : i32 to index
    %get3A_211 = arith.constant 32 : index
    %get3A_212 = tpu.vector_load %arg5[%get3A_210, %get3A_211] {strides = array<i32>} : memref<4x128xi32, #tpu.memory_space<vmem>>, vector<1x16xi32>,
    %get3A_213 = vector.shape_cast %get3A_212 : vector<1x16xi32> to vector<16xi32>
    %shift_right_arithmetic3A_214 = arith.constant 13 : i32
    %shift_right_arithmetic3A_215 = vector.broadcast %shift_right_arithmetic3A_214 : i32 to vector<16xi32>
    %shift_right_arithmetic3A_216 = arith.shrsi %get3A_213, %shift_right_arithmetic3A_215 : vector<16xi32>
    %mul3A_217 = arith.constant 2048 : i32
    %mul3A_218 = vector.broadcast %mul3A_217 : i32 to vector<16xi32>
    %mul3A_219 = arith.muli %shift_right_arithmetic3A_216, %mul3A_218 : vector<16xi32>
    %and3A_220 = arith.constant 2047 : i32
    %and3A_221 = vector.broadcast %and3A_220 : i32 to vector<16xi32>
    %and3A_222 = arith.andi %get3A_213, %and3A_221 : vector<16xi32>
    %add3A_223 = arith.addi %mul3A_219, %and3A_222 : vector<16xi32>
    %swap3A_224 = arith.constant 1 : i32
    %swap3A_225 = arith.index_cast %swap3A_224 : i32 to index
    %swap3A_226 = arith.constant 32 : index
    %swap3A_227 = tpu.vector_load %arg5[%swap3A_225, %swap3A_226] {strides = array<i32>} : memref<4x128xi32, #tpu.memory_space<vmem>>, vector<1x16xi32>,
    %swap3A_228 = vector.shape_cast %swap3A_227 : vector<1x16xi32> to vector<16xi32>
    %swap3A_229 = vector.shape_cast %add3A_223 : vector<16xi32> to vector<1x16xi32>
    tpu.vector_store %arg5[%swap3A_225, %swap3A_226], %swap3A_229 {strides = array<i32>} : memref<4x128xi32, #tpu.memory_space<vmem>>, vector<1x16xi32>,
    %get3A_230 = arith.constant 1 : i32
    %get3A_231 = arith.index_cast %get3A_230 : i32 to index
    %get3A_232 = arith.constant 48 : index
    %get3A_233 = tpu.vector_load %arg5[%get3A_231, %get3A_232] {strides = array<i32>} : memref<4x128xi32, #tpu.memory_space<vmem>>, vector<1x16xi32>,
    %get3A_234 = vector.shape_cast %get3A_233 : vector<1x16xi32> to vector<16xi32>
    %shift_right_arithmetic3A_235 = arith.constant 13 : i32
    %shift_right_arithmetic3A_236 = vector.broadcast %shift_right_arithmetic3A_235 : i32 to vector<16xi32>
    %shift_right_arithmetic3A_237 = arith.shrsi %get3A_234, %shift_right_arithmetic3A_236 : vector<16xi32>
    %mul3A_238 = arith.constant 2048 : i32
    %mul3A_239 = vector.broadcast %mul3A_238 : i32 to vector<16xi32>
    %mul3A_240 = arith.muli %shift_right_arithmetic3A_237, %mul3A_239 : vector<16xi32>
    %and3A_241 = arith.constant 2047 : i32
    %and3A_242 = vector.broadcast %and3A_241 : i32 to vector<16xi32>
    %and3A_243 = arith.andi %get3A_234, %and3A_242 : vector<16xi32>
    %add3A_244 = arith.addi %mul3A_240, %and3A_243 : vector<16xi32>
    %swap3A_245 = arith.constant 1 : i32
    %swap3A_246 = arith.index_cast %swap3A_245 : i32 to index
    %swap3A_247 = arith.constant 48 : index
    %swap3A_248 = tpu.vector_load %arg5[%swap3A_246, %swap3A_247] {strides = array<i32>} : memref<4x128xi32, #tpu.memory_space<vmem>>, vector<1x16xi32>,
    %swap3A_249 = vector.shape_cast %swap3A_248 : vector<1x16xi32> to vector<16xi32>
    %swap3A_250 = vector.shape_cast %add3A_244 : vector<16xi32> to vector<1x16xi32>
    tpu.vector_store %arg5[%swap3A_246, %swap3A_247], %swap3A_250 {strides = array<i32>} : memref<4x128xi32, #tpu.memory_space<vmem>>, vector<1x16xi32>,
    %get3A_251 = arith.constant 1 : i32
    %get3A_252 = arith.index_cast %get3A_251 : i32 to index
    %get3A_253 = arith.constant 64 : index
    %get3A_254 = tpu.vector_load %arg5[%get3A_252, %get3A_253] {strides = array<i32>} : memref<4x128xi32, #tpu.memory_space<vmem>>, vector<1x16xi32>,
    %get3A_255 = vector.shape_cast %get3A_254 : vector<1x16xi32> to vector<16xi32>
    %shift_right_arithmetic3A_256 = arith.constant 13 : i32
    %shift_right_arithmetic3A_257 = vector.broadcast %shift_right_arithmetic3A_256 : i32 to vector<16xi32>
    %shift_right_arithmetic3A_258 = arith.shrsi %get3A_255, %shift_right_arithmetic3A_257 : vector<16xi32>
    %mul3A_259 = arith.constant 2048 : i32
    %mul3A_260 = vector.broadcast %mul3A_259 : i32 to vector<16xi32>
    %mul3A_261 = arith.muli %shift_right_arithmetic3A_258, %mul3A_260 : vector<16xi32>
    %and3A_262 = arith.constant 2047 : i32
    %and3A_263 = vector.broadcast %and3A_262 : i32 to vector<16xi32>
    %and3A_264 = arith.andi %get3A_255, %and3A_263 : vector<16xi32>
    %add3A_265 = arith.addi %mul3A_261, %and3A_264 : vector<16xi32>
    %swap3A_266 = arith.constant 1 : i32
    %swap3A_267 = arith.index_cast %swap3A_266 : i32 to index
    %swap3A_268 = arith.constant 64 : index
    %swap3A_269 = tpu.vector_load %arg5[%swap3A_267, %swap3A_268] {strides = array<i32>} : memref<4x128xi32, #tpu.memory_space<vmem>>, vector<1x16xi32>,
    %swap3A_270 = vector.shape_cast %swap3A_269 : vector<1x16xi32> to vector<16xi32>
    %swap3A_271 = vector.shape_cast %add3A_265 : vector<16xi32> to vector<1x16xi32>
    tpu.vector_store %arg5[%swap3A_267, %swap3A_268], %swap3A_271 {strides = array<i32>} : memref<4x128xi32, #tpu.memory_space<vmem>>, vector<1x16xi32>,
    %get3A_272 = arith.constant 1 : i32
    %get3A_273 = arith.index_cast %get3A_272 : i32 to index
    %get3A_274 = arith.constant 80 : index
    %get3A_275 = tpu.vector_load %arg5[%get3A_273, %get3A_274] {strides = array<i32>} : memref<4x128xi32, #tpu.memory_space<vmem>>, vector<1x16xi32>,
    %get3A_276 = vector.shape_cast %get3A_275 : vector<1x16xi32> to vector<16xi32>
    %shift_right_arithmetic3A_277 = arith.constant 13 : i32
    %shift_right_arithmetic3A_278 = vector.broadcast %shift_right_arithmetic3A_277 : i32 to vector<16xi32>
    %shift_right_arithmetic3A_279 = arith.shrsi %get3A_276, %shift_right_arithmetic3A_278 : vector<16xi32>
    %mul3A_280 = arith.constant 2048 : i32
    %mul3A_281 = vector.broadcast %mul3A_280 : i32 to vector<16xi32>
    %mul3A_282 = arith.muli %shift_right_arithmetic3A_279, %mul3A_281 : vector<16xi32>
    %and3A_283 = arith.constant 2047 : i32
    %and3A_284 = vector.broadcast %and3A_283 : i32 to vector<16xi32>
    %and3A_285 = arith.andi %get3A_276, %and3A_284 : vector<16xi32>
    %add3A_286 = arith.addi %mul3A_282, %and3A_285 : vector<16xi32>
    %swap3A_287 = arith.constant 1 : i32
    %swap3A_288 = arith.index_cast %swap3A_287 : i32 to index
    %swap3A_289 = arith.constant 80 : index
    %swap3A_290 = tpu.vector_load %arg5[%swap3A_288, %swap3A_289] {strides = array<i32>} : memref<4x128xi32, #tpu.memory_space<vmem>>, vector<1x16xi32>,
    %swap3A_291 = vector.shape_cast %swap3A_290 : vector<1x16xi32> to vector<16xi32>
    %swap3A_292 = vector.shape_cast %add3A_286 : vector<16xi32> to vector<1x16xi32>
    tpu.vector_store %arg5[%swap3A_288, %swap3A_289], %swap3A_292 {strides = array<i32>} : memref<4x128xi32, #tpu.memory_space<vmem>>, vector<1x16xi32>,
    %get3A_293 = arith.constant 1 : i32
    %get3A_294 = arith.index_cast %get3A_293 : i32 to index
    %get3A_295 = arith.constant 96 : index
    %get3A_296 = tpu.vector_load %arg5[%get3A_294, %get3A_295] {strides = array<i32>} : memref<4x128xi32, #tpu.memory_space<vmem>>, vector<1x16xi32>,
    %get3A_297 = vector.shape_cast %get3A_296 : vector<1x16xi32> to vector<16xi32>
    %shift_right_arithmetic3A_298 = arith.constant 13 : i32
    %shift_right_arithmetic3A_299 = vector.broadcast %shift_right_arithmetic3A_298 : i32 to vector<16xi32>
    %shift_right_arithmetic3A_300 = arith.shrsi %get3A_297, %shift_right_arithmetic3A_299 : vector<16xi32>
    %mul3A_301 = arith.constant 2048 : i32
    %mul3A_302 = vector.broadcast %mul3A_301 : i32 to vector<16xi32>
    %mul3A_303 = arith.muli %shift_right_arithmetic3A_300, %mul3A_302 : vector<16xi32>
    %and3A_304 = arith.constant 2047 : i32
    %and3A_305 = vector.broadcast %and3A_304 : i32 to vector<16xi32>
    %and3A_306 = arith.andi %get3A_297, %and3A_305 : vector<16xi32>
    %add3A_307 = arith.addi %mul3A_303, %and3A_306 : vector<16xi32>
    %swap3A_308 = arith.constant 1 : i32
    %swap3A_309 = arith.index_cast %swap3A_308 : i32 to index
    %swap3A_310 = arith.constant 96 : index
    %swap3A_311 = tpu.vector_load %arg5[%swap3A_309, %swap3A_310] {strides = array<i32>} : memref<4x128xi32, #tpu.memory_space<vmem>>, vector<1x16xi32>,
    %swap3A_312 = vector.shape_cast %swap3A_311 : vector<1x16xi32> to vector<16xi32>
    %swap3A_313 = vector.shape_cast %add3A_307 : vector<16xi32> to vector<1x16xi32>
    tpu.vector_store %arg5[%swap3A_309, %swap3A_310], %swap3A_313 {strides = array<i32>} : memref<4x128xi32, #tpu.memory_space<vmem>>, vector<1x16xi32>,
    %get3A_314 = arith.constant 1 : i32
    %get3A_315 = arith.index_cast %get3A_314 : i32 to index
    %get3A_316 = arith.constant 112 : index
    %get3A_317 = tpu.vector_load %arg5[%get3A_315, %get3A_316] {strides = array<i32>} : memref<4x128xi32, #tpu.memory_space<vmem>>, vector<1x16xi32>,
    %get3A_318 = vector.shape_cast %get3A_317 : vector<1x16xi32> to vector<16xi32>
    %shift_right_arithmetic3A_319 = arith.constant 13 : i32
    %shift_right_arithmetic3A_320 = vector.broadcast %shift_right_arithmetic3A_319 : i32 to vector<16xi32>
    %shift_right_arithmetic3A_321 = arith.shrsi %get3A_318, %shift_right_arithmetic3A_320 : vector<16xi32>
    %mul3A_322 = arith.constant 2048 : i32
    %mul3A_323 = vector.broadcast %mul3A_322 : i32 to vector<16xi32>
    %mul3A_324 = arith.muli %shift_right_arithmetic3A_321, %mul3A_323 : vector<16xi32>
    %and3A_325 = arith.constant 2047 : i32
    %and3A_326 = vector.broadcast %and3A_325 : i32 to vector<16xi32>
    %and3A_327 = arith.andi %get3A_318, %and3A_326 : vector<16xi32>
    %add3A_328 = arith.addi %mul3A_324, %and3A_327 : vector<16xi32>
    %swap3A_329 = arith.constant 1 : i32
    %swap3A_330 = arith.index_cast %swap3A_329 : i32 to index
    %swap3A_331 = arith.constant 112 : index
    %swap3A_332 = tpu.vector_load %arg5[%swap3A_330, %swap3A_331] {strides = array<i32>} : memref<4x128xi32, #tpu.memory_space<vmem>>, vector<1x16xi32>,
    %swap3A_333 = vector.shape_cast %swap3A_332 : vector<1x16xi32> to vector<16xi32>
    %swap3A_334 = vector.shape_cast %add3A_328 : vector<16xi32> to vector<1x16xi32>
    tpu.vector_store %arg5[%swap3A_330, %swap3A_331], %swap3A_334 {strides = array<i32>} : memref<4x128xi32, #tpu.memory_space<vmem>>, vector<1x16xi32>,
    %get3A_335 = arith.constant 2 : i32
    %get3A_336 = arith.index_cast %get3A_335 : i32 to index
    %get3A_337 = arith.constant 0 : index
    %get3A_338 = tpu.vector_load %arg5[%get3A_336, %get3A_337] {strides = array<i32>} : memref<4x128xi32, #tpu.memory_space<vmem>>, vector<1x16xi32>,
    %get3A_339 = vector.shape_cast %get3A_338 : vector<1x16xi32> to vector<16xi32>
    %shift_right_arithmetic3A_340 = arith.constant 13 : i32
    %shift_right_arithmetic3A_341 = vector.broadcast %shift_right_arithmetic3A_340 : i32 to vector<16xi32>
    %shift_right_arithmetic3A_342 = arith.shrsi %get3A_339, %shift_right_arithmetic3A_341 : vector<16xi32>
    %mul3A_343 = arith.constant 2048 : i32
    %mul3A_344 = vector.broadcast %mul3A_343 : i32 to vector<16xi32>
    %mul3A_345 = arith.muli %shift_right_arithmetic3A_342, %mul3A_344 : vector<16xi32>
    %and3A_346 = arith.constant 2047 : i32
    %and3A_347 = vector.broadcast %and3A_346 : i32 to vector<16xi32>
    %and3A_348 = arith.andi %get3A_339, %and3A_347 : vector<16xi32>
    %add3A_349 = arith.addi %mul3A_345, %and3A_348 : vector<16xi32>
    %swap3A_350 = arith.constant 2 : i32
    %swap3A_351 = arith.index_cast %swap3A_350 : i32 to index
    %swap3A_352 = arith.constant 0 : index
    %swap3A_353 = tpu.vector_load %arg5[%swap3A_351, %swap3A_352] {strides = array<i32>} : memref<4x128xi32, #tpu.memory_space<vmem>>, vector<1x16xi32>,
    %swap3A_354 = vector.shape_cast %swap3A_353 : vector<1x16xi32> to vector<16xi32>
    %swap3A_355 = vector.shape_cast %add3A_349 : vector<16xi32> to vector<1x16xi32>
    tpu.vector_store %arg5[%swap3A_351, %swap3A_352], %swap3A_355 {strides = array<i32>} : memref<4x128xi32, #tpu.memory_space<vmem>>, vector<1x16xi32>,
    %get3A_356 = arith.constant 2 : i32
    %get3A_357 = arith.index_cast %get3A_356 : i32 to index
    %get3A_358 = arith.constant 16 : index
    %get3A_359 = tpu.vector_load %arg5[%get3A_357, %get3A_358] {strides = array<i32>} : memref<4x128xi32, #tpu.memory_space<vmem>>, vector<1x16xi32>,
    %get3A_360 = vector.shape_cast %get3A_359 : vector<1x16xi32> to vector<16xi32>
    %shift_right_arithmetic3A_361 = arith.constant 13 : i32
    %shift_right_arithmetic3A_362 = vector.broadcast %shift_right_arithmetic3A_361 : i32 to vector<16xi32>
    %shift_right_arithmetic3A_363 = arith.shrsi %get3A_360, %shift_right_arithmetic3A_362 : vector<16xi32>
    %mul3A_364 = arith.constant 2048 : i32
    %mul3A_365 = vector.broadcast %mul3A_364 : i32 to vector<16xi32>
    %mul3A_366 = arith.muli %shift_right_arithmetic3A_363, %mul3A_365 : vector<16xi32>
    %and3A_367 = arith.constant 2047 : i32
    %and3A_368 = vector.broadcast %and3A_367 : i32 to vector<16xi32>
    %and3A_369 = arith.andi %get3A_360, %and3A_368 : vector<16xi32>
    %add3A_370 = arith.addi %mul3A_366, %and3A_369 : vector<16xi32>
    %swap3A_371 = arith.constant 2 : i32
    %swap3A_372 = arith.index_cast %swap3A_371 : i32 to index
    %swap3A_373 = arith.constant 16 : index
    %swap3A_374 = tpu.vector_load %arg5[%swap3A_372, %swap3A_373] {strides = array<i32>} : memref<4x128xi32, #tpu.memory_space<vmem>>, vector<1x16xi32>,
    %swap3A_375 = vector.shape_cast %swap3A_374 : vector<1x16xi32> to vector<16xi32>
    %swap3A_376 = vector.shape_cast %add3A_370 : vector<16xi32> to vector<1x16xi32>
    tpu.vector_store %arg5[%swap3A_372, %swap3A_373], %swap3A_376 {strides = array<i32>} : memref<4x128xi32, #tpu.memory_space<vmem>>, vector<1x16xi32>,
    %get3A_377 = arith.constant 2 : i32
    %get3A_378 = arith.index_cast %get3A_377 : i32 to index
    %get3A_379 = arith.constant 32 : index
    %get3A_380 = tpu.vector_load %arg5[%get3A_378, %get3A_379] {strides = array<i32>} : memref<4x128xi32, #tpu.memory_space<vmem>>, vector<1x16xi32>,
    %get3A_381 = vector.shape_cast %get3A_380 : vector<1x16xi32> to vector<16xi32>
    %shift_right_arithmetic3A_382 = arith.constant 13 : i32
    %shift_right_arithmetic3A_383 = vector.broadcast %shift_right_arithmetic3A_382 : i32 to vector<16xi32>
    %shift_right_arithmetic3A_384 = arith.shrsi %get3A_381, %shift_right_arithmetic3A_383 : vector<16xi32>
    %mul3A_385 = arith.constant 2048 : i32
    %mul3A_386 = vector.broadcast %mul3A_385 : i32 to vector<16xi32>
    %mul3A_387 = arith.muli %shift_right_arithmetic3A_384, %mul3A_386 : vector<16xi32>
    %and3A_388 = arith.constant 2047 : i32
    %and3A_389 = vector.broadcast %and3A_388 : i32 to vector<16xi32>
    %and3A_390 = arith.andi %get3A_381, %and3A_389 : vector<16xi32>
    %add3A_391 = arith.addi %mul3A_387, %and3A_390 : vector<16xi32>
    %swap3A_392 = arith.constant 2 : i32
    %swap3A_393 = arith.index_cast %swap3A_392 : i32 to index
    %swap3A_394 = arith.constant 32 : index
    %swap3A_395 = tpu.vector_load %arg5[%swap3A_393, %swap3A_394] {strides = array<i32>} : memref<4x128xi32, #tpu.memory_space<vmem>>, vector<1x16xi32>,
    %swap3A_396 = vector.shape_cast %swap3A_395 : vector<1x16xi32> to vector<16xi32>
    %swap3A_397 = vector.shape_cast %add3A_391 : vector<16xi32> to vector<1x16xi32>
    tpu.vector_store %arg5[%swap3A_393, %swap3A_394], %swap3A_397 {strides = array<i32>} : memref<4x128xi32, #tpu.memory_space<vmem>>, vector<1x16xi32>,
    %get3A_398 = arith.constant 2 : i32
    %get3A_399 = arith.index_cast %get3A_398 : i32 to index
    %get3A_400 = arith.constant 48 : index
    %get3A_401 = tpu.vector_load %arg5[%get3A_399, %get3A_400] {strides = array<i32>} : memref<4x128xi32, #tpu.memory_space<vmem>>, vector<1x16xi32>,
    %get3A_402 = vector.shape_cast %get3A_401 : vector<1x16xi32> to vector<16xi32>
    %shift_right_arithmetic3A_403 = arith.constant 13 : i32
    %shift_right_arithmetic3A_404 = vector.broadcast %shift_right_arithmetic3A_403 : i32 to vector<16xi32>
    %shift_right_arithmetic3A_405 = arith.shrsi %get3A_402, %shift_right_arithmetic3A_404 : vector<16xi32>
    %mul3A_406 = arith.constant 2048 : i32
    %mul3A_407 = vector.broadcast %mul3A_406 : i32 to vector<16xi32>
    %mul3A_408 = arith.muli %shift_right_arithmetic3A_405, %mul3A_407 : vector<16xi32>
    %and3A_409 = arith.constant 2047 : i32
    %and3A_410 = vector.broadcast %and3A_409 : i32 to vector<16xi32>
    %and3A_411 = arith.andi %get3A_402, %and3A_410 : vector<16xi32>
    %add3A_412 = arith.addi %mul3A_408, %and3A_411 : vector<16xi32>
    %swap3A_413 = arith.constant 2 : i32
    %swap3A_414 = arith.index_cast %swap3A_413 : i32 to index
    %swap3A_415 = arith.constant 48 : index
    %swap3A_416 = tpu.vector_load %arg5[%swap3A_414, %swap3A_415] {strides = array<i32>} : memref<4x128xi32, #tpu.memory_space<vmem>>, vector<1x16xi32>,
    %swap3A_417 = vector.shape_cast %swap3A_416 : vector<1x16xi32> to vector<16xi32>
    %swap3A_418 = vector.shape_cast %add3A_412 : vector<16xi32> to vector<1x16xi32>
    tpu.vector_store %arg5[%swap3A_414, %swap3A_415], %swap3A_418 {strides = array<i32>} : memref<4x128xi32, #tpu.memory_space<vmem>>, vector<1x16xi32>,
    %get3A_419 = arith.constant 2 : i32
    %get3A_420 = arith.index_cast %get3A_419 : i32 to index
    %get3A_421 = arith.constant 64 : index
    %get3A_422 = tpu.vector_load %arg5[%get3A_420, %get3A_421] {strides = array<i32>} : memref<4x128xi32, #tpu.memory_space<vmem>>, vector<1x16xi32>,
    %get3A_423 = vector.shape_cast %get3A_422 : vector<1x16xi32> to vector<16xi32>
    %shift_right_arithmetic3A_424 = arith.constant 13 : i32
    %shift_right_arithmetic3A_425 = vector.broadcast %shift_right_arithmetic3A_424 : i32 to vector<16xi32>
    %shift_right_arithmetic3A_426 = arith.shrsi %get3A_423, %shift_right_arithmetic3A_425 : vector<16xi32>
    %mul3A_427 = arith.constant 2048 : i32
    %mul3A_428 = vector.broadcast %mul3A_427 : i32 to vector<16xi32>
    %mul3A_429 = arith.muli %shift_right_arithmetic3A_426, %mul3A_428 : vector<16xi32>
    %and3A_430 = arith.constant 2047 : i32
    %and3A_431 = vector.broadcast %and3A_430 : i32 to vector<16xi32>
    %and3A_432 = arith.andi %get3A_423, %and3A_431 : vector<16xi32>
    %add3A_433 = arith.addi %mul3A_429, %and3A_432 : vector<16xi32>
    %swap3A_434 = arith.constant 2 : i32
    %swap3A_435 = arith.index_cast %swap3A_434 : i32 to index
    %swap3A_436 = arith.constant 64 : index
    %swap3A_437 = tpu.vector_load %arg5[%swap3A_435, %swap3A_436] {strides = array<i32>} : memref<4x128xi32, #tpu.memory_space<vmem>>, vector<1x16xi32>,
    %swap3A_438 = vector.shape_cast %swap3A_437 : vector<1x16xi32> to vector<16xi32>
    %swap3A_439 = vector.shape_cast %add3A_433 : vector<16xi32> to vector<1x16xi32>
    tpu.vector_store %arg5[%swap3A_435, %swap3A_436], %swap3A_439 {strides = array<i32>} : memref<4x128xi32, #tpu.memory_space<vmem>>, vector<1x16xi32>,
    %get3A_440 = arith.constant 2 : i32
    %get3A_441 = arith.index_cast %get3A_440 : i32 to index
    %get3A_442 = arith.constant 80 : index
    %get3A_443 = tpu.vector_load %arg5[%get3A_441, %get3A_442] {strides = array<i32>} : memref<4x128xi32, #tpu.memory_space<vmem>>, vector<1x16xi32>,
    %get3A_444 = vector.shape_cast %get3A_443 : vector<1x16xi32> to vector<16xi32>
    %shift_right_arithmetic3A_445 = arith.constant 13 : i32
    %shift_right_arithmetic3A_446 = vector.broadcast %shift_right_arithmetic3A_445 : i32 to vector<16xi32>
    %shift_right_arithmetic3A_447 = arith.shrsi %get3A_444, %shift_right_arithmetic3A_446 : vector<16xi32>
    %mul3A_448 = arith.constant 2048 : i32
    %mul3A_449 = vector.broadcast %mul3A_448 : i32 to vector<16xi32>
    %mul3A_450 = arith.muli %shift_right_arithmetic3A_447, %mul3A_449 : vector<16xi32>
    %and3A_451 = arith.constant 2047 : i32
    %and3A_452 = vector.broadcast %and3A_451 : i32 to vector<16xi32>
    %and3A_453 = arith.andi %get3A_444, %and3A_452 : vector<16xi32>
    %add3A_454 = arith.addi %mul3A_450, %and3A_453 : vector<16xi32>
    %swap3A_455 = arith.constant 2 : i32
    %swap3A_456 = arith.index_cast %swap3A_455 : i32 to index
    %swap3A_457 = arith.constant 80 : index
    %swap3A_458 = tpu.vector_load %arg5[%swap3A_456, %swap3A_457] {strides = array<i32>} : memref<4x128xi32, #tpu.memory_space<vmem>>, vector<1x16xi32>,
    %swap3A_459 = vector.shape_cast %swap3A_458 : vector<1x16xi32> to vector<16xi32>
    %swap3A_460 = vector.shape_cast %add3A_454 : vector<16xi32> to vector<1x16xi32>
    tpu.vector_store %arg5[%swap3A_456, %swap3A_457], %swap3A_460 {strides = array<i32>} : memref<4x128xi32, #tpu.memory_space<vmem>>, vector<1x16xi32>,
    %get3A_461 = arith.constant 2 : i32
    %get3A_462 = arith.index_cast %get3A_461 : i32 to index
    %get3A_463 = arith.constant 96 : index
    %get3A_464 = tpu.vector_load %arg5[%get3A_462, %get3A_463] {strides = array<i32>} : memref<4x128xi32, #tpu.memory_space<vmem>>, vector<1x16xi32>,
    %get3A_465 = vector.shape_cast %get3A_464 : vector<1x16xi32> to vector<16xi32>
    %shift_right_arithmetic3A_466 = arith.constant 13 : i32
    %shift_right_arithmetic3A_467 = vector.broadcast %shift_right_arithmetic3A_466 : i32 to vector<16xi32>
    %shift_right_arithmetic3A_468 = arith.shrsi %get3A_465, %shift_right_arithmetic3A_467 : vector<16xi32>
    %mul3A_469 = arith.constant 2048 : i32
    %mul3A_470 = vector.broadcast %mul3A_469 : i32 to vector<16xi32>
    %mul3A_471 = arith.muli %shift_right_arithmetic3A_468, %mul3A_470 : vector<16xi32>
    %and3A_472 = arith.constant 2047 : i32
    %and3A_473 = vector.broadcast %and3A_472 : i32 to vector<16xi32>
    %and3A_474 = arith.andi %get3A_465, %and3A_473 : vector<16xi32>
    %add3A_475 = arith.addi %mul3A_471, %and3A_474 : vector<16xi32>
    %swap3A_476 = arith.constant 2 : i32
    %swap3A_477 = arith.index_cast %swap3A_476 : i32 to index
    %swap3A_478 = arith.constant 96 : index
    %swap3A_479 = tpu.vector_load %arg5[%swap3A_477, %swap3A_478] {strides = array<i32>} : memref<4x128xi32, #tpu.memory_space<vmem>>, vector<1x16xi32>,
    %swap3A_480 = vector.shape_cast %swap3A_479 : vector<1x16xi32> to vector<16xi32>
    %swap3A_481 = vector.shape_cast %add3A_475 : vector<16xi32> to vector<1x16xi32>
    tpu.vector_store %arg5[%swap3A_477, %swap3A_478], %swap3A_481 {strides = array<i32>} : memref<4x128xi32, #tpu.memory_space<vmem>>, vector<1x16xi32>,
    %get3A_482 = arith.constant 2 : i32
    %get3A_483 = arith.index_cast %get3A_482 : i32 to index
    %get3A_484 = arith.constant 112 : index
    %get3A_485 = tpu.vector_load %arg5[%get3A_483, %get3A_484] {strides = array<i32>} : memref<4x128xi32, #tpu.memory_space<vmem>>, vector<1x16xi32>,
    %get3A_486 = vector.shape_cast %get3A_485 : vector<1x16xi32> to vector<16xi32>
    %shift_right_arithmetic3A_487 = arith.constant 13 : i32
    %shift_right_arithmetic3A_488 = vector.broadcast %shift_right_arithmetic3A_487 : i32 to vector<16xi32>
    %shift_right_arithmetic3A_489 = arith.shrsi %get3A_486, %shift_right_arithmetic3A_488 : vector<16xi32>
    %mul3A_490 = arith.constant 2048 : i32
    %mul3A_491 = vector.broadcast %mul3A_490 : i32 to vector<16xi32>
    %mul3A_492 = arith.muli %shift_right_arithmetic3A_489, %mul3A_491 : vector<16xi32>
    %and3A_493 = arith.constant 2047 : i32
    %and3A_494 = vector.broadcast %and3A_493 : i32 to vector<16xi32>
    %and3A_495 = arith.andi %get3A_486, %and3A_494 : vector<16xi32>
    %add3A_496 = arith.addi %mul3A_492, %and3A_495 : vector<16xi32>
    %swap3A_497 = arith.constant 2 : i32
    %swap3A_498 = arith.index_cast %swap3A_497 : i32 to index
    %swap3A_499 = arith.constant 112 : index
    %swap3A_500 = tpu.vector_load %arg5[%swap3A_498, %swap3A_499] {strides = array<i32>} : memref<4x128xi32, #tpu.memory_space<vmem>>, vector<1x16xi32>,
    %swap3A_501 = vector.shape_cast %swap3A_500 : vector<1x16xi32> to vector<16xi32>
    %swap3A_502 = vector.shape_cast %add3A_496 : vector<16xi32> to vector<1x16xi32>
    tpu.vector_store %arg5[%swap3A_498, %swap3A_499], %swap3A_502 {strides = array<i32>} : memref<4x128xi32, #tpu.memory_space<vmem>>, vector<1x16xi32>,
    %get3A_503 = arith.constant 3 : i32
    %get3A_504 = arith.index_cast %get3A_503 : i32 to index
    %get3A_505 = arith.constant 0 : index
    %get3A_506 = tpu.vector_load %arg5[%get3A_504, %get3A_505] {strides = array<i32>} : memref<4x128xi32, #tpu.memory_space<vmem>>, vector<1x16xi32>,
    %get3A_507 = vector.shape_cast %get3A_506 : vector<1x16xi32> to vector<16xi32>
    %shift_right_arithmetic3A_508 = arith.constant 13 : i32
    %shift_right_arithmetic3A_509 = vector.broadcast %shift_right_arithmetic3A_508 : i32 to vector<16xi32>
    %shift_right_arithmetic3A_510 = arith.shrsi %get3A_507, %shift_right_arithmetic3A_509 : vector<16xi32>
    %mul3A_511 = arith.constant 2048 : i32
    %mul3A_512 = vector.broadcast %mul3A_511 : i32 to vector<16xi32>
    %mul3A_513 = arith.muli %shift_right_arithmetic3A_510, %mul3A_512 : vector<16xi32>
    %and3A_514 = arith.constant 2047 : i32
    %and3A_515 = vector.broadcast %and3A_514 : i32 to vector<16xi32>
    %and3A_516 = arith.andi %get3A_507, %and3A_515 : vector<16xi32>
    %add3A_517 = arith.addi %mul3A_513, %and3A_516 : vector<16xi32>
    %swap3A_518 = arith.constant 3 : i32
    %swap3A_519 = arith.index_cast %swap3A_518 : i32 to index
    %swap3A_520 = arith.constant 0 : index
    %swap3A_521 = tpu.vector_load %arg5[%swap3A_519, %swap3A_520] {strides = array<i32>} : memref<4x128xi32, #tpu.memory_space<vmem>>, vector<1x16xi32>,
    %swap3A_522 = vector.shape_cast %swap3A_521 : vector<1x16xi32> to vector<16xi32>
    %swap3A_523 = vector.shape_cast %add3A_517 : vector<16xi32> to vector<1x16xi32>
    tpu.vector_store %arg5[%swap3A_519, %swap3A_520], %swap3A_523 {strides = array<i32>} : memref<4x128xi32, #tpu.memory_space<vmem>>, vector<1x16xi32>,
    %get3A_524 = arith.constant 3 : i32
    %get3A_525 = arith.index_cast %get3A_524 : i32 to index
    %get3A_526 = arith.constant 16 : index
    %get3A_527 = tpu.vector_load %arg5[%get3A_525, %get3A_526] {strides = array<i32>} : memref<4x128xi32, #tpu.memory_space<vmem>>, vector<1x16xi32>,
    %get3A_528 = vector.shape_cast %get3A_527 : vector<1x16xi32> to vector<16xi32>
    %shift_right_arithmetic3A_529 = arith.constant 13 : i32
    %shift_right_arithmetic3A_530 = vector.broadcast %shift_right_arithmetic3A_529 : i32 to vector<16xi32>
    %shift_right_arithmetic3A_531 = arith.shrsi %get3A_528, %shift_right_arithmetic3A_530 : vector<16xi32>
    %mul3A_532 = arith.constant 2048 : i32
    %mul3A_533 = vector.broadcast %mul3A_532 : i32 to vector<16xi32>
    %mul3A_534 = arith.muli %shift_right_arithmetic3A_531, %mul3A_533 : vector<16xi32>
    %and3A_535 = arith.constant 2047 : i32
    %and3A_536 = vector.broadcast %and3A_535 : i32 to vector<16xi32>
    %and3A_537 = arith.andi %get3A_528, %and3A_536 : vector<16xi32>
    %add3A_538 = arith.addi %mul3A_534, %and3A_537 : vector<16xi32>
    %swap3A_539 = arith.constant 3 : i32
    %swap3A_540 = arith.index_cast %swap3A_539 : i32 to index
    %swap3A_541 = arith.constant 16 : index
    %swap3A_542 = tpu.vector_load %arg5[%swap3A_540, %swap3A_541] {strides = array<i32>} : memref<4x128xi32, #tpu.memory_space<vmem>>, vector<1x16xi32>,
    %swap3A_543 = vector.shape_cast %swap3A_542 : vector<1x16xi32> to vector<16xi32>
    %swap3A_544 = vector.shape_cast %add3A_538 : vector<16xi32> to vector<1x16xi32>
    tpu.vector_store %arg5[%swap3A_540, %swap3A_541], %swap3A_544 {strides = array<i32>} : memref<4x128xi32, #tpu.memory_space<vmem>>, vector<1x16xi32>,
    %get3A_545 = arith.constant 3 : i32
    %get3A_546 = arith.index_cast %get3A_545 : i32 to index
    %get3A_547 = arith.constant 32 : index
    %get3A_548 = tpu.vector_load %arg5[%get3A_546, %get3A_547] {strides = array<i32>} : memref<4x128xi32, #tpu.memory_space<vmem>>, vector<1x16xi32>,
    %get3A_549 = vector.shape_cast %get3A_548 : vector<1x16xi32> to vector<16xi32>
    %shift_right_arithmetic3A_550 = arith.constant 13 : i32
    %shift_right_arithmetic3A_551 = vector.broadcast %shift_right_arithmetic3A_550 : i32 to vector<16xi32>
    %shift_right_arithmetic3A_552 = arith.shrsi %get3A_549, %shift_right_arithmetic3A_551 : vector<16xi32>
    %mul3A_553 = arith.constant 2048 : i32
    %mul3A_554 = vector.broadcast %mul3A_553 : i32 to vector<16xi32>
    %mul3A_555 = arith.muli %shift_right_arithmetic3A_552, %mul3A_554 : vector<16xi32>
    %and3A_556 = arith.constant 2047 : i32
    %and3A_557 = vector.broadcast %and3A_556 : i32 to vector<16xi32>
    %and3A_558 = arith.andi %get3A_549, %and3A_557 : vector<16xi32>
    %add3A_559 = arith.addi %mul3A_555, %and3A_558 : vector<16xi32>
    %swap3A_560 = arith.constant 3 : i32
    %swap3A_561 = arith.index_cast %swap3A_560 : i32 to index
    %swap3A_562 = arith.constant 32 : index
    %swap3A_563 = tpu.vector_load %arg5[%swap3A_561, %swap3A_562] {strides = array<i32>} : memref<4x128xi32, #tpu.memory_space<vmem>>, vector<1x16xi32>,
    %swap3A_564 = vector.shape_cast %swap3A_563 : vector<1x16xi32> to vector<16xi32>
    %swap3A_565 = vector.shape_cast %add3A_559 : vector<16xi32> to vector<1x16xi32>
    tpu.vector_store %arg5[%swap3A_561, %swap3A_562], %swap3A_565 {strides = array<i32>} : memref<4x128xi32, #tpu.memory_space<vmem>>, vector<1x16xi32>,
    %get3A_566 = arith.constant 3 : i32
    %get3A_567 = arith.index_cast %get3A_566 : i32 to index
    %get3A_568 = arith.constant 48 : index
    %get3A_569 = tpu.vector_load %arg5[%get3A_567, %get3A_568] {strides = array<i32>} : memref<4x128xi32, #tpu.memory_space<vmem>>, vector<1x16xi32>,
    %get3A_570 = vector.shape_cast %get3A_569 : vector<1x16xi32> to vector<16xi32>
    %shift_right_arithmetic3A_571 = arith.constant 13 : i32
    %shift_right_arithmetic3A_572 = vector.broadcast %shift_right_arithmetic3A_571 : i32 to vector<16xi32>
    %shift_right_arithmetic3A_573 = arith.shrsi %get3A_570, %shift_right_arithmetic3A_572 : vector<16xi32>
    %mul3A_574 = arith.constant 2048 : i32
    %mul3A_575 = vector.broadcast %mul3A_574 : i32 to vector<16xi32>
    %mul3A_576 = arith.muli %shift_right_arithmetic3A_573, %mul3A_575 : vector<16xi32>
    %and3A_577 = arith.constant 2047 : i32
    %and3A_578 = vector.broadcast %and3A_577 : i32 to vector<16xi32>
    %and3A_579 = arith.andi %get3A_570, %and3A_578 : vector<16xi32>
    %add3A_580 = arith.addi %mul3A_576, %and3A_579 : vector<16xi32>
    %swap3A_581 = arith.constant 3 : i32
    %swap3A_582 = arith.index_cast %swap3A_581 : i32 to index
    %swap3A_583 = arith.constant 48 : index
    %swap3A_584 = tpu.vector_load %arg5[%swap3A_582, %swap3A_583] {strides = array<i32>} : memref<4x128xi32, #tpu.memory_space<vmem>>, vector<1x16xi32>,
    %swap3A_585 = vector.shape_cast %swap3A_584 : vector<1x16xi32> to vector<16xi32>
    %swap3A_586 = vector.shape_cast %add3A_580 : vector<16xi32> to vector<1x16xi32>
    tpu.vector_store %arg5[%swap3A_582, %swap3A_583], %swap3A_586 {strides = array<i32>} : memref<4x128xi32, #tpu.memory_space<vmem>>, vector<1x16xi32>,
    %get3A_587 = arith.constant 3 : i32
    %get3A_588 = arith.index_cast %get3A_587 : i32 to index
    %get3A_589 = arith.constant 64 : index
    %get3A_590 = tpu.vector_load %arg5[%get3A_588, %get3A_589] {strides = array<i32>} : memref<4x128xi32, #tpu.memory_space<vmem>>, vector<1x16xi32>,
    %get3A_591 = vector.shape_cast %get3A_590 : vector<1x16xi32> to vector<16xi32>
    %shift_right_arithmetic3A_592 = arith.constant 13 : i32
    %shift_right_arithmetic3A_593 = vector.broadcast %shift_right_arithmetic3A_592 : i32 to vector<16xi32>
    %shift_right_arithmetic3A_594 = arith.shrsi %get3A_591, %shift_right_arithmetic3A_593 : vector<16xi32>
    %mul3A_595 = arith.constant 2048 : i32
    %mul3A_596 = vector.broadcast %mul3A_595 : i32 to vector<16xi32>
    %mul3A_597 = arith.muli %shift_right_arithmetic3A_594, %mul3A_596 : vector<16xi32>
    %and3A_598 = arith.constant 2047 : i32
    %and3A_599 = vector.broadcast %and3A_598 : i32 to vector<16xi32>
    %and3A_600 = arith.andi %get3A_591, %and3A_599 : vector<16xi32>
    %add3A_601 = arith.addi %mul3A_597, %and3A_600 : vector<16xi32>
    %swap3A_602 = arith.constant 3 : i32
    %swap3A_603 = arith.index_cast %swap3A_602 : i32 to index
    %swap3A_604 = arith.constant 64 : index
    %swap3A_605 = tpu.vector_load %arg5[%swap3A_603, %swap3A_604] {strides = array<i32>} : memref<4x128xi32, #tpu.memory_space<vmem>>, vector<1x16xi32>,
    %swap3A_606 = vector.shape_cast %swap3A_605 : vector<1x16xi32> to vector<16xi32>
    %swap3A_607 = vector.shape_cast %add3A_601 : vector<16xi32> to vector<1x16xi32>
    tpu.vector_store %arg5[%swap3A_603, %swap3A_604], %swap3A_607 {strides = array<i32>} : memref<4x128xi32, #tpu.memory_space<vmem>>, vector<1x16xi32>,
    %get3A_608 = arith.constant 3 : i32
    %get3A_609 = arith.index_cast %get3A_608 : i32 to index
    %get3A_610 = arith.constant 80 : index
    %get3A_611 = tpu.vector_load %arg5[%get3A_609, %get3A_610] {strides = array<i32>} : memref<4x128xi32, #tpu.memory_space<vmem>>, vector<1x16xi32>,
    %get3A_612 = vector.shape_cast %get3A_611 : vector<1x16xi32> to vector<16xi32>
    %shift_right_arithmetic3A_613 = arith.constant 13 : i32
    %shift_right_arithmetic3A_614 = vector.broadcast %shift_right_arithmetic3A_613 : i32 to vector<16xi32>
    %shift_right_arithmetic3A_615 = arith.shrsi %get3A_612, %shift_right_arithmetic3A_614 : vector<16xi32>
    %mul3A_616 = arith.constant 2048 : i32
    %mul3A_617 = vector.broadcast %mul3A_616 : i32 to vector<16xi32>
    %mul3A_618 = arith.muli %shift_right_arithmetic3A_615, %mul3A_617 : vector<16xi32>
    %and3A_619 = arith.constant 2047 : i32
    %and3A_620 = vector.broadcast %and3A_619 : i32 to vector<16xi32>
    %and3A_621 = arith.andi %get3A_612, %and3A_620 : vector<16xi32>
    %add3A_622 = arith.addi %mul3A_618, %and3A_621 : vector<16xi32>
    %swap3A_623 = arith.constant 3 : i32
    %swap3A_624 = arith.index_cast %swap3A_623 : i32 to index
    %swap3A_625 = arith.constant 80 : index
    %swap3A_626 = tpu.vector_load %arg5[%swap3A_624, %swap3A_625] {strides = array<i32>} : memref<4x128xi32, #tpu.memory_space<vmem>>, vector<1x16xi32>,
    %swap3A_627 = vector.shape_cast %swap3A_626 : vector<1x16xi32> to vector<16xi32>
    %swap3A_628 = vector.shape_cast %add3A_622 : vector<16xi32> to vector<1x16xi32>
    tpu.vector_store %arg5[%swap3A_624, %swap3A_625], %swap3A_628 {strides = array<i32>} : memref<4x128xi32, #tpu.memory_space<vmem>>, vector<1x16xi32>,
    %get3A_629 = arith.constant 3 : i32
    %get3A_630 = arith.index_cast %get3A_629 : i32 to index
    %get3A_631 = arith.constant 96 : index
    %get3A_632 = tpu.vector_load %arg5[%get3A_630, %get3A_631] {strides = array<i32>} : memref<4x128xi32, #tpu.memory_space<vmem>>, vector<1x16xi32>,
    %get3A_633 = vector.shape_cast %get3A_632 : vector<1x16xi32> to vector<16xi32>
    %shift_right_arithmetic3A_634 = arith.constant 13 : i32
    %shift_right_arithmetic3A_635 = vector.broadcast %shift_right_arithmetic3A_634 : i32 to vector<16xi32>
    %shift_right_arithmetic3A_636 = arith.shrsi %get3A_633, %shift_right_arithmetic3A_635 : vector<16xi32>
    %mul3A_637 = arith.constant 2048 : i32
    %mul3A_638 = vector.broadcast %mul3A_637 : i32 to vector<16xi32>
    %mul3A_639 = arith.muli %shift_right_arithmetic3A_636, %mul3A_638 : vector<16xi32>
    %and3A_640 = arith.constant 2047 : i32
    %and3A_641 = vector.broadcast %and3A_640 : i32 to vector<16xi32>
    %and3A_642 = arith.andi %get3A_633, %and3A_641 : vector<16xi32>
    %add3A_643 = arith.addi %mul3A_639, %and3A_642 : vector<16xi32>
    %swap3A_644 = arith.constant 3 : i32
    %swap3A_645 = arith.index_cast %swap3A_644 : i32 to index
    %swap3A_646 = arith.constant 96 : index
    %swap3A_647 = tpu.vector_load %arg5[%swap3A_645, %swap3A_646] {strides = array<i32>} : memref<4x128xi32, #tpu.memory_space<vmem>>, vector<1x16xi32>,
    %swap3A_648 = vector.shape_cast %swap3A_647 : vector<1x16xi32> to vector<16xi32>
    %swap3A_649 = vector.shape_cast %add3A_643 : vector<16xi32> to vector<1x16xi32>
    tpu.vector_store %arg5[%swap3A_645, %swap3A_646], %swap3A_649 {strides = array<i32>} : memref<4x128xi32, #tpu.memory_space<vmem>>, vector<1x16xi32>,
    %get3A_650 = arith.constant 3 : i32
    %get3A_651 = arith.index_cast %get3A_650 : i32 to index
    %get3A_652 = arith.constant 112 : index
    %get3A_653 = tpu.vector_load %arg5[%get3A_651, %get3A_652] {strides = array<i32>} : memref<4x128xi32, #tpu.memory_space<vmem>>, vector<1x16xi32>,
    %get3A_654 = vector.shape_cast %get3A_653 : vector<1x16xi32> to vector<16xi32>
    %shift_right_arithmetic3A_655 = arith.constant 13 : i32
    %shift_right_arithmetic3A_656 = vector.broadcast %shift_right_arithmetic3A_655 : i32 to vector<16xi32>
    %shift_right_arithmetic3A_657 = arith.shrsi %get3A_654, %shift_right_arithmetic3A_656 : vector<16xi32>
    %mul3A_658 = arith.constant 2048 : i32
    %mul3A_659 = vector.broadcast %mul3A_658 : i32 to vector<16xi32>
    %mul3A_660 = arith.muli %shift_right_arithmetic3A_657, %mul3A_659 : vector<16xi32>
    %and3A_661 = arith.constant 2047 : i32
    %and3A_662 = vector.broadcast %and3A_661 : i32 to vector<16xi32>
    %and3A_663 = arith.andi %get3A_654, %and3A_662 : vector<16xi32>
    %add3A_664 = arith.addi %mul3A_660, %and3A_663 : vector<16xi32>
    %swap3A_665 = arith.constant 3 : i32
    %swap3A_666 = arith.index_cast %swap3A_665 : i32 to index
    %swap3A_667 = arith.constant 112 : index
    %swap3A_668 = tpu.vector_load %arg5[%swap3A_666, %swap3A_667] {strides = array<i32>} : memref<4x128xi32, #tpu.memory_space<vmem>>, vector<1x16xi32>,
    %swap3A_669 = vector.shape_cast %swap3A_668 : vector<1x16xi32> to vector<16xi32>
    %swap3A_670 = vector.shape_cast %add3A_664 : vector<16xi32> to vector<1x16xi32>
    tpu.vector_store %arg5[%swap3A_666, %swap3A_667], %swap3A_670 {strides = array<i32>} : memref<4x128xi32, #tpu.memory_space<vmem>>, vector<1x16xi32>,
    %dma_start3A = arith.constant 0 : i32
    %dma_start3A_671 = arith.constant 0 : i32
    %dma_start3A_672 = arith.constant 0 : i32
    %dma_start3A_673 = tpu.memref_slice %arg6[%dma_start3A_671, %dma_start3A_672] : memref<512x128xf32, #tpu.memory_space<vmem>> -> memref<128x128xf32, #tpu.memory_space<vmem>>
    %dma_start3A_674 = arith.constant 0 : i32
    %dma_start3A_675 = tpu.memref_slice %arg5[%dma_start3A, %dma_start3A_674] : memref<4x128xi32, #tpu.memory_space<vmem>> -> memref<1x128xi32, #tpu.memory_space<vmem>>
    %dma_start3A_676 = tpu.memref_squeeze %dma_start3A_675 : memref<1x128xi32, #tpu.memory_space<vmem>> -> memref<128xi32, #tpu.memory_space<vmem>>
    %dma_start3A_677 = arith.constant 0 : i32
    %dma_start3A_678 = arith.constant 0 : i32
    %dma_start3A_679 = tpu.memref_slice %arg3[%dma_start3A_677, %dma_start3A_678] : memref<251904x128xf32, #tpu.memory_space<hbm>> -> memref<251904x128xf32, #tpu.memory_space<hbm>>
    tpu.enqueue_indirect_dma source(%dma_start3A_679 : memref<251904x128xf32, #tpu.memory_space<hbm>>) target(%dma_start3A_673 : memref<128x128xf32, #tpu.memory_space<vmem>>) offsets(%dma_start3A_676 : memref<128xi32, #tpu.memory_space<vmem>>) semaphore(%arg7 : memref<!tpu.dma_semaphore, #tpu.memory_space<semaphore_mem>>)
    %dma_start3A_680 = arith.constant 1 : i32
    %dma_start3A_681 = arith.constant 128 : i32
    %dma_start3A_682 = arith.constant 0 : i32
    %dma_start3A_683 = tpu.memref_slice %arg6[%dma_start3A_681, %dma_start3A_682] : memref<512x128xf32, #tpu.memory_space<vmem>> -> memref<128x128xf32, #tpu.memory_space<vmem>>
    %dma_start3A_684 = arith.constant 0 : i32
    %dma_start3A_685 = tpu.memref_slice %arg5[%dma_start3A_680, %dma_start3A_684] : memref<4x128xi32, #tpu.memory_space<vmem>> -> memref<1x128xi32, #tpu.memory_space<vmem>>
    %dma_start3A_686 = tpu.memref_squeeze %dma_start3A_685 : memref<1x128xi32, #tpu.memory_space<vmem>> -> memref<128xi32, #tpu.memory_space<vmem>>
    %dma_start3A_687 = arith.constant 0 : i32
    %dma_start3A_688 = arith.constant 0 : i32
    %dma_start3A_689 = tpu.memref_slice %arg3[%dma_start3A_687, %dma_start3A_688] : memref<251904x128xf32, #tpu.memory_space<hbm>> -> memref<251904x128xf32, #tpu.memory_space<hbm>>
    tpu.enqueue_indirect_dma source(%dma_start3A_689 : memref<251904x128xf32, #tpu.memory_space<hbm>>) target(%dma_start3A_683 : memref<128x128xf32, #tpu.memory_space<vmem>>) offsets(%dma_start3A_686 : memref<128xi32, #tpu.memory_space<vmem>>) semaphore(%arg7 : memref<!tpu.dma_semaphore, #tpu.memory_space<semaphore_mem>>)
    %dma_start3A_690 = arith.constant 2 : i32
    %dma_start3A_691 = arith.constant 256 : i32
    %dma_start3A_692 = arith.constant 0 : i32
    %dma_start3A_693 = tpu.memref_slice %arg6[%dma_start3A_691, %dma_start3A_692] : memref<512x128xf32, #tpu.memory_space<vmem>> -> memref<128x128xf32, #tpu.memory_space<vmem>>
    %dma_start3A_694 = arith.constant 0 : i32
    %dma_start3A_695 = tpu.memref_slice %arg5[%dma_start3A_690, %dma_start3A_694] : memref<4x128xi32, #tpu.memory_space<vmem>> -> memref<1x128xi32, #tpu.memory_space<vmem>>
    %dma_start3A_696 = tpu.memref_squeeze %dma_start3A_695 : memref<1x128xi32, #tpu.memory_space<vmem>> -> memref<128xi32, #tpu.memory_space<vmem>>
    %dma_start3A_697 = arith.constant 0 : i32
    %dma_start3A_698 = arith.constant 0 : i32
    %dma_start3A_699 = tpu.memref_slice %arg3[%dma_start3A_697, %dma_start3A_698] : memref<251904x128xf32, #tpu.memory_space<hbm>> -> memref<251904x128xf32, #tpu.memory_space<hbm>>
    tpu.enqueue_indirect_dma source(%dma_start3A_699 : memref<251904x128xf32, #tpu.memory_space<hbm>>) target(%dma_start3A_693 : memref<128x128xf32, #tpu.memory_space<vmem>>) offsets(%dma_start3A_696 : memref<128xi32, #tpu.memory_space<vmem>>) semaphore(%arg7 : memref<!tpu.dma_semaphore, #tpu.memory_space<semaphore_mem>>)
    %dma_start3A_700 = arith.constant 3 : i32
    %dma_start3A_701 = arith.constant 384 : i32
    %dma_start3A_702 = arith.constant 0 : i32
    %dma_start3A_703 = tpu.memref_slice %arg6[%dma_start3A_701, %dma_start3A_702] : memref<512x128xf32, #tpu.memory_space<vmem>> -> memref<128x128xf32, #tpu.memory_space<vmem>>
    %dma_start3A_704 = arith.constant 0 : i32
    %dma_start3A_705 = tpu.memref_slice %arg5[%dma_start3A_700, %dma_start3A_704] : memref<4x128xi32, #tpu.memory_space<vmem>> -> memref<1x128xi32, #tpu.memory_space<vmem>>
    %dma_start3A_706 = tpu.memref_squeeze %dma_start3A_705 : memref<1x128xi32, #tpu.memory_space<vmem>> -> memref<128xi32, #tpu.memory_space<vmem>>
    %dma_start3A_707 = arith.constant 0 : i32
    %dma_start3A_708 = arith.constant 0 : i32
    %dma_start3A_709 = tpu.memref_slice %arg3[%dma_start3A_707, %dma_start3A_708] : memref<251904x128xf32, #tpu.memory_space<hbm>> -> memref<251904x128xf32, #tpu.memory_space<hbm>>
    tpu.enqueue_indirect_dma source(%dma_start3A_709 : memref<251904x128xf32, #tpu.memory_space<hbm>>) target(%dma_start3A_703 : memref<128x128xf32, #tpu.memory_space<vmem>>) offsets(%dma_start3A_706 : memref<128xi32, #tpu.memory_space<vmem>>) semaphore(%arg7 : memref<!tpu.dma_semaphore, #tpu.memory_space<semaphore_mem>>)
    %dma_wait3A = arith.constant 0 : i32
    %dma_wait3A_710 = arith.constant 0 : i32
    %dma_wait3A_711 = arith.constant 0 : i32
    %dma_wait3A_712 = tpu.memref_slice %arg6[%dma_wait3A_710, %dma_wait3A_711] : memref<512x128xf32, #tpu.memory_space<vmem>> -> memref<128x128xf32, #tpu.memory_space<vmem>>
    %dma_wait3A_713 = arith.constant 0 : i32
    %dma_wait3A_714 = tpu.memref_slice %arg5[%dma_wait3A, %dma_wait3A_713] : memref<4x128xi32, #tpu.memory_space<vmem>> -> memref<1x128xi32, #tpu.memory_space<vmem>>
    %dma_wait3A_715 = tpu.memref_squeeze %dma_wait3A_714 : memref<1x128xi32, #tpu.memory_space<vmem>> -> memref<128xi32, #tpu.memory_space<vmem>>
    %dma_wait3A_716 = arith.constant 0 : i32
    %dma_wait3A_717 = arith.constant 0 : i32
    %dma_wait3A_718 = tpu.memref_slice %arg3[%dma_wait3A_716, %dma_wait3A_717] : memref<251904x128xf32, #tpu.memory_space<hbm>> -> memref<251904x128xf32, #tpu.memory_space<hbm>>
    tpu.wait_indirect_dma semaphore(%arg7 : memref<!tpu.dma_semaphore, #tpu.memory_space<semaphore_mem>>) src(%dma_wait3A_718 : memref<251904x128xf32, #tpu.memory_space<hbm>>) dst(%dma_wait3A_712 : memref<128x128xf32, #tpu.memory_space<vmem>>)
    %dma_wait3A_719 = arith.constant 1 : i32
    %dma_wait3A_720 = arith.constant 128 : i32
    %dma_wait3A_721 = arith.constant 0 : i32
    %dma_wait3A_722 = tpu.memref_slice %arg6[%dma_wait3A_720, %dma_wait3A_721] : memref<512x128xf32, #tpu.memory_space<vmem>> -> memref<128x128xf32, #tpu.memory_space<vmem>>
    %dma_wait3A_723 = arith.constant 0 : i32
    %dma_wait3A_724 = tpu.memref_slice %arg5[%dma_wait3A_719, %dma_wait3A_723] : memref<4x128xi32, #tpu.memory_space<vmem>> -> memref<1x128xi32, #tpu.memory_space<vmem>>
    %dma_wait3A_725 = tpu.memref_squeeze %dma_wait3A_724 : memref<1x128xi32, #tpu.memory_space<vmem>> -> memref<128xi32, #tpu.memory_space<vmem>>
    %dma_wait3A_726 = arith.constant 0 : i32
    %dma_wait3A_727 = arith.constant 0 : i32
    %dma_wait3A_728 = tpu.memref_slice %arg3[%dma_wait3A_726, %dma_wait3A_727] : memref<251904x128xf32, #tpu.memory_space<hbm>> -> memref<251904x128xf32, #tpu.memory_space<hbm>>
    tpu.wait_indirect_dma semaphore(%arg7 : memref<!tpu.dma_semaphore, #tpu.memory_space<semaphore_mem>>) src(%dma_wait3A_728 : memref<251904x128xf32, #tpu.memory_space<hbm>>) dst(%dma_wait3A_722 : memref<128x128xf32, #tpu.memory_space<vmem>>)
    %dma_wait3A_729 = arith.constant 2 : i32
    %dma_wait3A_730 = arith.constant 256 : i32
    %dma_wait3A_731 = arith.constant 0 : i32
    %dma_wait3A_732 = tpu.memref_slice %arg6[%dma_wait3A_730, %dma_wait3A_731] : memref<512x128xf32, #tpu.memory_space<vmem>> -> memref<128x128xf32, #tpu.memory_space<vmem>>
    %dma_wait3A_733 = arith.constant 0 : i32
    %dma_wait3A_734 = tpu.memref_slice %arg5[%dma_wait3A_729, %dma_wait3A_733] : memref<4x128xi32, #tpu.memory_space<vmem>> -> memref<1x128xi32, #tpu.memory_space<vmem>>
    %dma_wait3A_735 = tpu.memref_squeeze %dma_wait3A_734 : memref<1x128xi32, #tpu.memory_space<vmem>> -> memref<128xi32, #tpu.memory_space<vmem>>
    %dma_wait3A_736 = arith.constant 0 : i32
    %dma_wait3A_737 = arith.constant 0 : i32
    %dma_wait3A_738 = tpu.memref_slice %arg3[%dma_wait3A_736, %dma_wait3A_737] : memref<251904x128xf32, #tpu.memory_space<hbm>> -> memref<251904x128xf32, #tpu.memory_space<hbm>>
    tpu.wait_indirect_dma semaphore(%arg7 : memref<!tpu.dma_semaphore, #tpu.memory_space<semaphore_mem>>) src(%dma_wait3A_738 : memref<251904x128xf32, #tpu.memory_space<hbm>>) dst(%dma_wait3A_732 : memref<128x128xf32, #tpu.memory_space<vmem>>)
    %dma_wait3A_739 = arith.constant 3 : i32
    %dma_wait3A_740 = arith.constant 384 : i32
    %dma_wait3A_741 = arith.constant 0 : i32
    %dma_wait3A_742 = tpu.memref_slice %arg6[%dma_wait3A_740, %dma_wait3A_741] : memref<512x128xf32, #tpu.memory_space<vmem>> -> memref<128x128xf32, #tpu.memory_space<vmem>>
    %dma_wait3A_743 = arith.constant 0 : i32
    %dma_wait3A_744 = tpu.memref_slice %arg5[%dma_wait3A_739, %dma_wait3A_743] : memref<4x128xi32, #tpu.memory_space<vmem>> -> memref<1x128xi32, #tpu.memory_space<vmem>>
    %dma_wait3A_745 = tpu.memref_squeeze %dma_wait3A_744 : memref<1x128xi32, #tpu.memory_space<vmem>> -> memref<128xi32, #tpu.memory_space<vmem>>
    %dma_wait3A_746 = arith.constant 0 : i32
    %dma_wait3A_747 = arith.constant 0 : i32
    %dma_wait3A_748 = tpu.memref_slice %arg3[%dma_wait3A_746, %dma_wait3A_747] : memref<251904x128xf32, #tpu.memory_space<hbm>> -> memref<251904x128xf32, #tpu.memory_space<hbm>>
    tpu.wait_indirect_dma semaphore(%arg7 : memref<!tpu.dma_semaphore, #tpu.memory_space<semaphore_mem>>) src(%dma_wait3A_748 : memref<251904x128xf32, #tpu.memory_space<hbm>>) dst(%dma_wait3A_742 : memref<128x128xf32, #tpu.memory_space<vmem>>)
    %mul3A_749 = arith.constant 512 : i32
    %mul3A_750 = arith.muli %add3A, %mul3A_749 : i32
    "tpu.region"() ({
      %run_scoped3A = tpu.sem_alloc : memref<!tpu.dma_semaphore, #tpu.memory_space<semaphore_mem>>
      %dma_start3A_751 = arith.constant 0 : i32
      %dma_start3A_752 = tpu.memref_slice %arg4[%mul3A_750, %dma_start3A_751] : memref<16384x128xf32, #tpu.memory_space<hbm>> -> memref<512x128xf32, #tpu.memory_space<hbm>>
      %dma_start3A_753 = arith.constant 0 : i32
      %dma_start3A_754 = tpu.memref_slice %arg4[%mul3A_750, %dma_start3A_753] : memref<16384x128xf32, #tpu.memory_space<hbm>> -> memref<512x128xf32, #tpu.memory_space<hbm>>
      tpu.enqueue_dma source(%arg6 : memref<512x128xf32, #tpu.memory_space<vmem>>) target(%dma_start3A_754 : memref<512x128xf32, #tpu.memory_space<hbm>>) target_semaphore(%run_scoped3A : memref<!tpu.dma_semaphore, #tpu.memory_space<semaphore_mem>>)
      %dma_wait3A_755 = arith.constant 0 : i32
      %dma_wait3A_756 = tpu.memref_slice %arg4[%mul3A_750, %dma_wait3A_755] : memref<16384x128xf32, #tpu.memory_space<hbm>> -> memref<512x128xf32, #tpu.memory_space<hbm>>
      %dma_wait3A_757 = arith.constant 0 : i32
      %dma_wait3A_758 = tpu.memref_slice %arg4[%mul3A_750, %dma_wait3A_757] : memref<16384x128xf32, #tpu.memory_space<hbm>> -> memref<512x128xf32, #tpu.memory_space<hbm>>
      tpu.wait_dma2 semaphore(%run_scoped3A : memref<!tpu.dma_semaphore, #tpu.memory_space<semaphore_mem>>) src(%arg6 : memref<512x128xf32, #tpu.memory_space<vmem>>) dst(%dma_wait3A_758 : memref<512x128xf32, #tpu.memory_space<hbm>>)
      tpu.yield
    }) : () -> ()
    return
  }
}

module attributes {stable_mosaic.version = 14 : i64} {
  func.func @body(%arg0: i32, %arg1: memref<64x8192xf32, #tpu.memory_space<vmem>>, %arg2: memref<2048x128xf32, #tpu.memory_space<vmem>>) attributes {dimension_semantics = [#tpu.dimension_semantics<arbitrary>], iteration_bounds = array<i64: 123>, scalar_prefetch = 0 : i64, scratch_operands = 0 : i64, tpu.core_type = #tpu.core_type<tc>, window_params = [{transform_indices = @transform_0, window_bounds = array<i64: 64, 8192>}, {transform_indices = @transform_1, window_bounds = array<i64: 2048, 128>}]} {
    %get3A = arith.constant 0 : index
    %get3A_0 = arith.constant 0 : index
    %get3A_1 = vector.load %arg1[%get3A, %get3A_0] : memref<64x8192xf32, #tpu.memory_space<vmem>>, vector<64x8192xf32>
    %slice3A = vector.extract_strided_slice %get3A_1 {offsets = [0, 0], sizes = [64, 2048], strides = [1, 1]} : vector<64x8192xf32> to vector<64x2048xf32>
    %transpose3A = tpu.transpose %slice3A, [1, 0] : vector<64x2048xf32> -> vector<2048x64xf32>
    %slice3A_2 = vector.extract_strided_slice %get3A_1 {offsets = [0, 2048], sizes = [64, 2048], strides = [1, 1]} : vector<64x8192xf32> to vector<64x2048xf32>
    %transpose3A_3 = tpu.transpose %slice3A_2, [1, 0] : vector<64x2048xf32> -> vector<2048x64xf32>
    %slice3A_4 = vector.extract_strided_slice %get3A_1 {offsets = [0, 4096], sizes = [64, 2048], strides = [1, 1]} : vector<64x8192xf32> to vector<64x2048xf32>
    %transpose3A_5 = tpu.transpose %slice3A_4, [1, 0] : vector<64x2048xf32> -> vector<2048x64xf32>
    %slice3A_6 = vector.extract_strided_slice %get3A_1 {offsets = [0, 6144], sizes = [64, 2048], strides = [1, 1]} : vector<64x8192xf32> to vector<64x2048xf32>
    %transpose3A_7 = tpu.transpose %slice3A_6, [1, 0] : vector<64x2048xf32> -> vector<2048x64xf32>
    %convert_element_type3A = arith.truncf %transpose3A : vector<2048x64xf32> to vector<2048x64xbf16>
    %bitcast_convert_type3A = tpu.bitcast %convert_element_type3A : vector<2048x64xbf16> -> vector<2048x64xi16>
    %convert_element_type3A_8 = arith.extui %bitcast_convert_type3A : vector<2048x64xi16> to vector<2048x64xi32>
    %convert_element_type3A_9 = arith.truncf %transpose3A_3 : vector<2048x64xf32> to vector<2048x64xbf16>
    %bitcast_convert_type3A_10 = tpu.bitcast %convert_element_type3A_9 : vector<2048x64xbf16> -> vector<2048x64xi16>
    %convert_element_type3A_11 = arith.extui %bitcast_convert_type3A_10 : vector<2048x64xi16> to vector<2048x64xi32>
    %shift_left3A = arith.constant 16 : i32
    %shift_left3A_12 = vector.broadcast %shift_left3A : i32 to vector<2048x64xi32>
    %shift_left3A_13 = arith.shli %convert_element_type3A_11, %shift_left3A_12 : vector<2048x64xi32>
    %or3A = arith.ori %convert_element_type3A_8, %shift_left3A_13 : vector<2048x64xi32>
    %bitcast_convert_type3A_14 = tpu.bitcast %or3A : vector<2048x64xi32> -> vector<2048x64xf32>
    %swap3A = arith.constant 0 : index
    %swap3A_15 = arith.constant 0 : index
    %swap3A_16 = vector.load %arg2[%swap3A, %swap3A_15] : memref<2048x128xf32, #tpu.memory_space<vmem>>, vector<2048x64xf32>
    tpu.vector_store %arg2[%swap3A, %swap3A_15], %bitcast_convert_type3A_14 {strides = array<i32>} : memref<2048x128xf32, #tpu.memory_space<vmem>>, vector<2048x64xf32>,
    %convert_element_type3A_17 = arith.truncf %transpose3A_5 : vector<2048x64xf32> to vector<2048x64xbf16>
    %bitcast_convert_type3A_18 = tpu.bitcast %convert_element_type3A_17 : vector<2048x64xbf16> -> vector<2048x64xi16>
    %convert_element_type3A_19 = arith.extui %bitcast_convert_type3A_18 : vector<2048x64xi16> to vector<2048x64xi32>
    %convert_element_type3A_20 = arith.truncf %transpose3A_7 : vector<2048x64xf32> to vector<2048x64xbf16>
    %bitcast_convert_type3A_21 = tpu.bitcast %convert_element_type3A_20 : vector<2048x64xbf16> -> vector<2048x64xi16>
    %convert_element_type3A_22 = arith.extui %bitcast_convert_type3A_21 : vector<2048x64xi16> to vector<2048x64xi32>
    %shift_left3A_23 = arith.constant 16 : i32
    %shift_left3A_24 = vector.broadcast %shift_left3A_23 : i32 to vector<2048x64xi32>
    %shift_left3A_25 = arith.shli %convert_element_type3A_22, %shift_left3A_24 : vector<2048x64xi32>
    %or3A_26 = arith.ori %convert_element_type3A_19, %shift_left3A_25 : vector<2048x64xi32>
    %bitcast_convert_type3A_27 = tpu.bitcast %or3A_26 : vector<2048x64xi32> -> vector<2048x64xf32>
    %swap3A_28 = arith.constant 0 : index
    %swap3A_29 = arith.constant 64 : index
    %swap3A_30 = vector.load %arg2[%swap3A_28, %swap3A_29] : memref<2048x128xf32, #tpu.memory_space<vmem>>, vector<2048x64xf32>
    tpu.vector_store %arg2[%swap3A_28, %swap3A_29], %bitcast_convert_type3A_27 {strides = array<i32>} : memref<2048x128xf32, #tpu.memory_space<vmem>>, vector<2048x64xf32>,
    return
  }
  func.func @transform_0(%arg0: i32) -> (i32, i32) {
    %c0_i32 = arith.constant 0 : i32
    %c0_i32_0 = arith.constant 0 : i32
    return %c0_i32, %arg0 : i32, i32
  }
  func.func @transform_1(%arg0: i32) -> (i32, i32) {
    %c0_i32 = arith.constant 0 : i32
    %c0_i32_0 = arith.constant 0 : i32
    return %arg0, %c0_i32 : i32, i32
  }
}

module attributes {stable_mosaic.version = 14 : i64} {
  func.func @mm_body(%arg0: i32, %arg1: memref<2048x128xf32, #tpu.memory_space<vmem>>, %arg2: memref<2048x1xi32, #tpu.memory_space<vmem>>, %arg3: memref<1024x64xf32, #tpu.memory_space<vmem>>, %arg4: memref<2048x1024xf32, #tpu.memory_space<vmem>>) attributes {dimension_semantics = [#tpu.dimension_semantics<arbitrary>], iteration_bounds = array<i64: 8>, scalar_prefetch = 0 : i64, scratch_operands = 0 : i64, tpu.core_type = #tpu.core_type<tc>, window_params = [{transform_indices = @transform_0, window_bounds = array<i64: 2048, 128>}, {transform_indices = @transform_1, window_bounds = array<i64: 2048, 1>}, {pipeline_mode = #tpu.pipeline_mode<synchronous>, transform_indices = @transform_2, window_bounds = array<i64: 1024, 64>}, {transform_indices = @transform_3, window_bounds = array<i64: 2048, 1024>}]} {
    %get3A = arith.constant 0 : index
    %get3A_0 = arith.constant 0 : index
    %get3A_1 = vector.load %arg1[%get3A, %get3A_0] : memref<2048x128xf32, #tpu.memory_space<vmem>>, vector<2048x128xf32>
    %get3A_2 = arith.constant 0 : index
    %get3A_3 = arith.constant 0 : index
    %get3A_4 = vector.load %arg2[%get3A_2, %get3A_3] : memref<2048x1xi32, #tpu.memory_space<vmem>>, vector<2048x1xi32>
    %and3A = arith.constant 8191 : i32
    %and3A_5 = vector.broadcast %and3A : i32 to vector<2048x1xi32>
    %and3A_6 = arith.andi %get3A_4, %and3A_5 : vector<2048x1xi32>
    %shift_right_arithmetic3A = arith.constant 11 : i32
    %shift_right_arithmetic3A_7 = vector.broadcast %shift_right_arithmetic3A : i32 to vector<2048x1xi32>
    %shift_right_arithmetic3A_8 = arith.shrsi %and3A_6, %shift_right_arithmetic3A_7 : vector<2048x1xi32>
    %ge3A = arith.constant 2 : i32
    %ge3A_9 = vector.broadcast %ge3A : i32 to vector<2048x1xi32>
    %ge3A_10 = arith.cmpi sge, %shift_right_arithmetic3A_8, %ge3A_9 : vector<2048x1xi32>
    %slice3A = vector.extract_strided_slice %get3A_1 {offsets = [0, 64], sizes = [2048, 64], strides = [1, 1]} : vector<2048x128xf32> to vector<2048x64xf32>
    %slice3A_11 = vector.extract_strided_slice %get3A_1 {offsets = [0, 0], sizes = [2048, 64], strides = [1, 1]} : vector<2048x128xf32> to vector<2048x64xf32>
    %broadcast_in_dim3A = vector.shape_cast %ge3A_10 : vector<2048x1xi1> to vector<2048x1xi1>
    %broadcast_in_dim3A_12 = vector.broadcast %broadcast_in_dim3A : vector<2048x1xi1> to vector<2048x64xi1>
    %select_n3A = arith.select %broadcast_in_dim3A_12, %slice3A, %slice3A_11 : vector<2048x64xi1>, vector<2048x64xf32>
    %bitcast_convert_type3A = tpu.bitcast %select_n3A : vector<2048x64xf32> -> vector<2048x64xi32>
    %shift_left3A = arith.constant 16 : i32
    %shift_left3A_13 = vector.broadcast %shift_left3A : i32 to vector<2048x64xi32>
    %shift_left3A_14 = arith.shli %bitcast_convert_type3A, %shift_left3A_13 : vector<2048x64xi32>
    %bitcast_convert_type3A_15 = tpu.bitcast %shift_left3A_14 : vector<2048x64xi32> -> vector<2048x64xf32>
    %and3A_16 = arith.constant -65536 : i32
    %and3A_17 = vector.broadcast %and3A_16 : i32 to vector<2048x64xi32>
    %and3A_18 = arith.andi %bitcast_convert_type3A, %and3A_17 : vector<2048x64xi32>
    %bitcast_convert_type3A_19 = tpu.bitcast %and3A_18 : vector<2048x64xi32> -> vector<2048x64xf32>
    %and3A_20 = arith.constant 1 : i32
    %and3A_21 = vector.broadcast %and3A_20 : i32 to vector<2048x1xi32>
    %and3A_22 = arith.andi %shift_right_arithmetic3A_8, %and3A_21 : vector<2048x1xi32>
    %gt3A = arith.constant 0 : i32
    %gt3A_23 = vector.broadcast %gt3A : i32 to vector<2048x1xi32>
    %gt3A_24 = arith.cmpi sgt, %and3A_22, %gt3A_23 : vector<2048x1xi32>
    %broadcast_in_dim3A_25 = vector.shape_cast %gt3A_24 : vector<2048x1xi1> to vector<2048x1xi1>
    %broadcast_in_dim3A_26 = vector.broadcast %broadcast_in_dim3A_25 : vector<2048x1xi1> to vector<2048x64xi1>
    %select_n3A_27 = arith.select %broadcast_in_dim3A_26, %bitcast_convert_type3A_19, %bitcast_convert_type3A_15 : vector<2048x64xi1>, vector<2048x64xf32>
    %get3A_28 = arith.constant 0 : index
    %get3A_29 = arith.constant 0 : index
    %get3A_30 = vector.load %arg3[%get3A_28, %get3A_29] : memref<1024x64xf32, #tpu.memory_space<vmem>>, vector<1024x64xf32>
    %dot_general3A = arith.constant dense<0.000000e+00> : vector<2048x1024xf32>
    %dot_general3A_31 = tpu.matmul %select_n3A_27, %get3A_30, %dot_general3A {dimension_numbers = #tpu.dot_dimension_numbers<[1], [1], [0], [0], [0, 0, 1, 0], [], []>, transpose_lhs_hint = false} : vector<2048x64xf32>, vector<1024x64xf32>, vector<2048x1024xf32> -> vector<2048x1024xf32>
    %swap3A = arith.constant 0 : index
    %swap3A_32 = arith.constant 0 : index
    %swap3A_33 = vector.load %arg4[%swap3A, %swap3A_32] : memref<2048x1024xf32, #tpu.memory_space<vmem>>, vector<2048x1024xf32>
    tpu.vector_store %arg4[%swap3A, %swap3A_32], %dot_general3A_31 {strides = array<i32>} : memref<2048x1024xf32, #tpu.memory_space<vmem>>, vector<2048x1024xf32>,
    return
  }
  func.func @transform_0(%arg0: i32) -> (i32, i32) {
    %c0_i32 = arith.constant 0 : i32
    %c0_i32_0 = arith.constant 0 : i32
    return %arg0, %c0_i32 : i32, i32
  }
  func.func @transform_1(%arg0: i32) -> (i32, i32) {
    %c0_i32 = arith.constant 0 : i32
    %c0_i32_0 = arith.constant 0 : i32
    return %arg0, %c0_i32 : i32, i32
  }
  func.func @transform_2(%arg0: i32) -> (i32, i32) {
    %c0_i32 = arith.constant 0 : i32
    %c0_i32_0 = arith.constant 0 : i32
    %c0_i32_1 = arith.constant 0 : i32
    return %c0_i32, %c0_i32_0 : i32, i32
  }
  func.func @transform_3(%arg0: i32) -> (i32, i32) {
    %c0_i32 = arith.constant 0 : i32
    %c0_i32_0 = arith.constant 0 : i32
    return %arg0, %c0_i32 : i32, i32
  }
}

</mosaic_0001>

<sc_bundles>
// kernel: kernel.5.cloned.1.call-start
scs
__scs_entry_jumppad:
0x0: {  	(pc) =	sbr.rel $0x88, $3  }
0x1: {  	(tag) =	ssettag $0x0;
	lr =	simm.s32 $0x1  }
0x2: {  	[smem:$0x3F9E] =	sst lr;
	_ =	strace $0xD0000000  }
0x3: {  	_ = 	snop  }
0x4: {  	_ = 	snop  }
0x5: {  	_ = 	snop  }
0x6: {  	_ = 	snop  }
0x7: {  	_ = 	snop  }
__scs_overlays_trampoline_lowered:
0x8: {  	[smem:$0x3FAD] =	sst s0  }
0x9: {  	[smem:$0x3FAE] =	sst s1  }
0xa: {  	[smem:$0x3FAF] =	sst s2  }
0xb: {  	[smem:$0x3FB0] =	sst s3  }
0xc: {  	[smem:$0x3FB1] =	sst s4  }
0xd: {  	[smem:$0x3FB2] =	sst s5  }
0xe: {  	[smem:$0x3FB3] =	sst s6  }
0xf: {  	[smem:$0x3FB4] =	sst s7  }
0x10: {  	[smem:$0x3FB5] =	sst s8  }
0x11: {  	[smem:$0x3FB6] =	sst s9;
	s0 =	simm.s32 @!p0 $0x0  }
0x12: {  	s1 =	sld [smem:$0x3F9C];
	s0 =	simm.s32 @p0 $0x1  }
0x13: {  	[smem:$0x3FB7] =	sst s0;
	s0 =	simm.s32 @!p1 $0x0  }
0x14: {  	s2 =	sld [smem:$0x3F9B];
	s0 =	simm.s32 @p1 $0x1  }
0x15: {  	[smem:$0x3FB8] =	sst s0;
	s0 =	simm.s32 @!p2 $0x0  }
0x16: {  	s3 =	sld [smem:$0x3FDB];
	s0 =	simm.s32 @p2 $0x1  }
0x17: {  	s4 =	simm.s32 $0x1BF5;
	[smem:$0x3FBA] =	sst s0  }
0x18: {  	s0 =	sld [smem:$0x3F9D];
	_ =	swait.ge [sflag:s4], $0x0  }
0x19: {  	s7 =	sld [smem:$0x3F9E]  }
0x1a: {  	s8 =	sadd.s32 $0xFFFFE003, lr  }
0x1b: {  	s9 =	sadd.s32 $0xFFFFFEF7, lr;
	s5 =	simm.s32 $0xFFFFFFFF;
	p2 =	slt.u32 s8, $0xFFFFF086  }
0x1c: {  	p1 =	slt.u32 s9, $0xF7A;
	s5 =	simm.s32 @!p2 $0x0  }
0x1d: {  	s5 =	simm.s32 @p1 $0x1;
	p0 =	seq.s32 s7, s2  }
0x1e: {  	s7 =	smul.u32 @!p0 $0xF7A, s2;
	p2 =	seq.s32 @!p0 s5, $0x0  }
0x1f: {  	s9 =	smul.u32 $0xF7A, s1;
	s8 =	simm.s32 @!p0 $0x1BF5;
	p2 =	por !p2, p0  }
0x20: {  	[sflag:s8] =	ssyncset.s32 @!p0 $0xFFFFF086;
	s6 =	sadd.s32 @!p0 s3, s7;
	s7 =	simm.s32 @!p0 $0x108  }
0x21: {  	s3 =	sadd.s32 s3, s9;
	s6 =	sadd.s32 @!p0 $0x88, s6;
	s7 =	simm.s32 @p2 $0x1082  }
0x22: {  	[simem:s7], [sflag:s8] =	dma.local @!p0 [hbm:s6], $0xF7A  }
0x23: {  	s9 =	sor.u32 $0xD0000000, s2;
	s6 =	simm.s32 $0x108;
	_ =	swait.ge @!p0 [sflag:s8], $0x0  }
0x24: {  	s3 =	sadd.s32 $0x88, s3;
	s6 =	simm.s32 @!p1 $0x1082;
	[sflag:s4] =	ssyncset.s32 $0xFFFFF086  }
0x25: {  	[simem:s6], [sflag:s4] =	dma.local [hbm:s3], $0xF7A  }
0x26: {  	[smem:$0x3F9E] =	sst s1;
	(tag) =	ssettag s2;
	_ =	strace s9  }
0x27: {  	s1 =	sld [smem:$0x3FAE]  }
0x28: {  	s2 =	sld [smem:$0x3FAF]  }
0x29: {  	s4 =	sld [smem:$0x3FB1]  }
0x2a: {  	p0 =	seq.s32 s5, $0x0;
	s5 =	sld [smem:$0x3FB2]  }
0x2b: {  	s6 =	sld [smem:$0x3FB3]  }
0x2c: {  	s7 =	sld [smem:$0x3FB4]  }
0x2d: {  	s3 =	simm.s32 $0x108;
	s8 =	sld [smem:$0x3FB5]  }
0x2e: {  	s3 =	simm.s32 @!p0 $0x1082;
	s9 =	sld [smem:$0x3FB6]  }
0x2f: {  	lr =	sadd.s32 s0, s3;
	s0 =	sld [smem:$0x3FAD]  }
0x30: {  	s3 =	sld [smem:$0x3FB0]  }
0x31: {  	[smem:$0x3FB9] =	sst s10  }
0x32: {  	s10 =	sld [smem:$0x3FB7];
	_ =	sdelay $0x3  }
0x33: {  	p0 =	seq.s32 s10, $0x1;
	s10 =	sld [smem:$0x3FB9];
	_ =	sdelay $0x3  }
0x34: {  	[smem:$0x3FB9] =	sst s10  }
0x35: {  	s10 =	sld [smem:$0x3FB8];
	_ =	sdelay $0x3  }
0x36: {  	p1 =	seq.s32 s10, $0x1;
	s10 =	sld [smem:$0x3FB9];
	_ =	sdelay $0x3  }
0x37: {  	[smem:$0x3FB9] =	sst s10  }
0x38: {  	s10 =	sld [smem:$0x3FBA]  }
0x39: {  	_ = 	snop;
	(pc) =	sbr.ind lr, $3  }
0x3a: {  	_ = 	snop  }
0x3b: {  	_ = 	snop  }
0x3c: {  	p2 =	seq.s32 s10, $0x1;
	s10 =	sld [smem:$0x3FB9]  }
0x3d: {  	_ =	shalt  }
0x3e: {  	_ =	shalt  }
0x3f: {  	_ =	shalt  }
0x40: {  	_ =	shalt  }
0x41: {  	_ =	shalt  }
0x42: {  	_ =	shalt  }
0x43: {  	_ =	shalt  }
0x44: {  	_ =	shalt  }
0x45: {  	_ =	shalt  }
0x46: {  	_ =	shalt  }
0x47: {  	_ =	shalt  }
0x48: {  	_ =	shalt  }
0x49: {  	_ =	shalt  }
0x4a: {  	_ =	shalt  }
0x4b: {  	_ =	shalt  }
0x4c: {  	_ =	shalt  }
0x4d: {  	_ =	shalt  }
0x4e: {  	_ =	shalt  }
0x4f: {  	_ =	shalt  }
0x50: {  	_ =	shalt  }
0x51: {  	_ =	shalt  }
0x52: {  	_ =	shalt  }
0x53: {  	_ =	shalt  }
0x54: {  	_ =	shalt  }
0x55: {  	_ =	shalt  }
0x56: {  	_ =	shalt  }
0x57: {  	_ =	shalt  }
0x58: {  	_ =	shalt  }
0x59: {  	_ =	shalt  }
0x5a: {  	_ =	shalt  }
0x5b: {  	_ =	shalt  }
0x5c: {  	_ =	shalt  }
0x5d: {  	_ =	shalt  }
0x5e: {  	_ =	shalt  }
0x5f: {  	_ =	shalt  }
0x60: {  	_ =	shalt  }
0x61: {  	_ =	shalt  }
0x62: {  	_ =	shalt  }
0x63: {  	_ =	shalt  }
0x64: {  	_ =	shalt  }
0x65: {  	_ =	shalt  }
0x66: {  	_ =	shalt  }
0x67: {  	_ =	shalt  }
0x68: {  	_ =	shalt  }
0x69: {  	_ =	shalt  }
0x6a: {  	_ =	shalt  }
0x6b: {  	_ =	shalt  }
0x6c: {  	_ =	shalt  }
0x6d: {  	_ =	shalt  }
0x6e: {  	_ =	shalt  }
0x6f: {  	_ =	shalt  }
0x70: {  	_ =	shalt  }
0x71: {  	_ =	shalt  }
0x72: {  	_ =	shalt  }
0x73: {  	_ =	shalt  }
0x74: {  	_ =	shalt  }
0x75: {  	_ =	shalt  }
0x76: {  	_ =	shalt  }
0x77: {  	_ =	shalt  }
0x78: {  	_ =	shalt  }
0x79: {  	_ =	shalt  }
0x7a: {  	_ =	shalt  }
0x7b: {  	_ =	shalt  }
0x7c: {  	_ =	shalt  }
0x7d: {  	_ =	shalt  }
0x7e: {  	_ =	shalt  }
0x7f: {  	_ =	shalt  }
0x80: {  	_ =	shalt  }
0x81: {  	_ =	shalt  }
0x82: {  	_ =	shalt  }
0x83: {  	_ =	shalt  }
0x84: {  	_ =	shalt  }
0x85: {  	_ =	shalt  }
0x86: {  	_ =	shalt  }
0x87: {  	_ =	shalt  }
.Lfunc_end0:
.L_simem_size_0:
called_computation_lowered:
.L_overlay_start_0:
0x88: {  	s2 =	sld [smem:$0x3FD9]  }
0x89: {  	s3 =	sld [smem:$0x3FFE];
	_ =	sdelay $0x1  }
0x8a: {  	s1 =	srdreg.scid  }
0x8b: {  	s0 =	sand.u32 $0x1, s1  }
0x8c: {  	s17 =	sshll.u32 s0, $0xA;
	s2 =	sadd.s32 s3, s2  }
0x8d: {  	s2 =	sadd.s32 s2, s17  }
0x8e: {  	[smem:$0x3FC5] =	sst s2  }
0x8f: {  	_ = 	snop  }
0x90: {  	s2 =	sld [smem:$0x3FD0];
	(tm) =	ssettm $0x1  }
0x91: {  	s18 =	sld [smem:$0x3FFB];
	_ =	sdelay $0x3  }
0x92: {  	_ =	strace s18  }
0x93: {  	s3 =	sld [smem:$0x3FFC];
	_ =	sdelay $0x3  }
0x94: {  	_ =	strace s3  }
0x95: {  	s3 =	sld [smem:$0x3FFD];
	_ =	sdelay $0x3  }
0x96: {  	_ =	strace s3  }
0x97: {  	_ =	strace $0x8FFFFFFF  }
0x98: {  	s19 =	sld [smem:$0x3FDB];
	_ =	sdelay $0x1  }
0x99: {  	s4 =	simm.s32 $_scs_section_size  }
0x9a: {  	s5 =	simm.s32 $_size__tile_overlayer_lowered;
	s6 =	simm.s32 $_tile_overlayer_lowered  }
0x9b: {  	s22 =	simm.s32 $0x1BFF;
	s21 =	sshll.u32 s6, $0x1;
	s3 =	sadd.s32 s4, s19  }
0x9c: {  	s7 =	simm.s32 $0x0;
	s20 =	sshll.u32 s5, $0x1;
	s5 =	sadd.s32 s21, s3  }
0x9d: {  	[timem:s7], [sflag:s22] =	dma.local [hbm:s5], s20  }
0x9e: {  	_ =	swait.ge [sflag:s22], s20  }
0x9f: {  	s4 =	ssub.s32 $0x0, s20;
	[sflag:s22] =	ssyncset.done $0x0  }
0xa0: {  	[sflag:s22] =	ssyncadd.s32 s4;
	_ =	sdelay $0x1  }
0xa1: {  	s23 =	simm.s32 $0x1B8B  }
0xa2: {  	_ =	swait.ge [sflag:s23], $0x1  }
0xa3: {  	[sflag:s23] =	ssyncset.done $0x0  }
0xa4: {  	s25 =	simm.s32 $0x1B8E;
	s24 =	sld [smem:$0x3FFE];
	[sflag:s23] =	ssyncadd.s32 $0xFFFFFFFF  }
0xa5: {  	s26 =	simm.s32 $execute0_lowered;
	[smem:$0x3FD2] =	sst s25  }
0xa6: {  	s5 =	sshll.u32 s26, $0x1;
	_ =	strace $0x80000046;
	[dreg:$0x1] =	wrdreg $0xFFFFFFFF  }
0xa7: {  	s28 =	simm.s32 $_size_execute0_lowered;
	s3 =	sadd.s32 s3, s5;
	[dreg:$0x0] =	wrdreg $0x0  }
0xa8: {  	s5 =	sshll.u32 s28, $0x1;
	[dreg:$0x2] =	wrdreg s3  }
0xa9: {  	[dreg:$0x3] =	wrdreg s5  }
0xaa: {  	[dreg:$0x4] =	wrdreg $0xC0  }
0xab: {  	_ =	task [dreg:s7], $0x5FFFF  }
0xac: {  	[dreg:$0x1] =	wrdreg $0xFFFFFFFF  }
0xad: {  	[dreg:$0x0] =	wrdreg $0x60  }
0xae: {  	[dreg:$0x2] =	wrdreg s24  }
0xaf: {  	[dreg:$0x3] =	wrdreg s2  }
0xb0: {  	[dreg:$0x4] =	wrdreg $0x9  }
0xb1: {  	_ =	task.clear_ibuf [dreg:s7], $0x5FFFF;
	_ =	strace $0x90000046  }
0xb2: {  	s29 =	simm.s32 $0x9;
	_ =	strace $0x80000048  }
0xb3: {  	_ =	swait.ge [sflag:s29], $0x1  }
0xb4: {  	[sflag:s29] =	ssyncadd.s32 $0xFFFFFFFF  }
0xb5: {  	_ =	strace $0x90000048  }
0xb6: {  	_ =	sfence  }
0xb7: {  	s30 =	sld [smem:$0x0];
	_ =	sdelay $0x2  }
0xb8: {  	s31 =	sshll.u32 s1, $0xD;
	s1 =	sshrl.u32 s1, $0x2  }
0xb9: {  	s3 =	sand.u32 $0x4000, s31;
	s1 =	sadd.s32 s1, s30  }
0xba: {  	s0 =	sor.u32 s3, s0;
	s1 =	sshll.u32 s1, $0x11  }
0xbb: {  	s0 =	sor.u32 s1, s0  }
0xbc: {  	s0 =	sadd.s32 $0x8F2B, s0  }
0xbd: {  	[sflag:s0] =	ssyncadd.remote.s32 $0x1  }
0xbe: {  	_ =	sfence.sel $0xFFFF  }
0xbf: {  	[dreg:$0x0] =	wrdreg $0xFFFFFFFF;
	(pc) =	sbr.abs _section_cstart, $3  }
0xc0: {  	[dreg:$0x1] =	wrdreg $0xFFFFFFFF  }
0xc1: {  	_ =	task.clear_ibuf [dreg:s7], $0x2FFFF;
	_ =	strace $0x9FFFFFFF  }
0xc2: {  	(tm) =	ssettm $0x7FFFFFFF  }
0xc3: {  	_ =	shalt  }
tec
execute0_lowered:
.L_overlay_start_1:
0x0: {  	(tag) =	ssettag $0x1  }
0x1: {  	s2 =	rddreg [dreg:$0x0]  }
0x2: {  	s3 =	rddreg [dreg:$0x1];
	s4 =	srdreg.scid  }
0x3: {  	s0 =	rddreg [dreg:$0x2];
	s1 =	simm.s32 $0x0;
	s4 =	sand.u32 $0x1, s4  }
0x4: {  	s9 =	simm.s32 $0x4200;
	s10 =	simm.s32 $0x100;
	s7 =	ssub.s32 $0x2, s4  }
0x5: {  	s11 =	simm.s32 $0x8200;
	s12 =	simm.s32 $0x180;
	s8 =	sshrl.u32 s7, $0x1  }
0x6: {  	s13 =	simm.s32 $0xC200;
	p0 =	por $0x0, $0x0;
	s7 =	ssub.s32 s7, s8  }
0x7: {  	[smem:$0x7FF] =	sst s1;
	s5 =	sshll.u32 s4, $0x6;
	s15 =	smax.u32 s7, $0x1  }
0x8: {  	s4 =	sshll.u32 s4, $0xD;
	s6 =	sadd.s32 s5, s2;
	p1 =	sne.s32 s15, $0x1  }
.Ltmp0:
0x9: {  	s5 =	sadd.s32 $0xA00, s2;
	s2 =	stileid.u32;
	(pc) =	sbr.rel @!p1 .LBB2_3-.Ltmp0, $4  }
0xa: {  	_ =	strace $0x80000047;
	s3 =	sadd.s32 s3, s4;
	s30 =	sshll.u32 s2, $0x7  }
0xb: {  	s31 =	sshll.u32 s2, $0xE;
	s8 =	simm.s32 $0x80;
	s6 =	sadd.s32 s30, s6  }
0xc: {  	s4 =	sadd.s32 s31, s3;
	s3 =	simm.s32 $0x2;
	s7 =	simm.s32 $0x1  }
0xd: {  	s14 =	sadd.s32 $0x3D8A00, s6;
	s6 =	simm.s32 $0x200;
	s15 =	sadd.s32 $0xFFFFFFFF, s15  }
0xe: {  	[tilespmem:s1], [sflag:$0x2] =	stream.linear.gather [hbm4b:s14+s1], $0x200, $0x38;
	[tilespmem:$0x10200] =	vst v63  }
0xf: {  	_ =	swait.ge [sflag:s3], $0x200  }
0x10: {  	[sflag:s3] =	ssyncset.done $0x0  }
0x11: {  	[sflag:s3] =	ssyncadd.s32 $0xFFFFFE00  }
0x12: {  	v0 =	vld [tilespmem:$0x190]  }
0x13: {  	v1 =	vld [tilespmem:$0x1A0]  }
0x14: {  	v2 =	vld [tilespmem:$0x140]  }
0x15: {  	v3 =	vld [tilespmem:$0x1E0]  }
0x16: {  	v4 =	vld [tilespmem:$0x1D0]  }
0x17: {  	v7 =	vld [tilespmem:$0x1F0]  }
0x18: {  	v8 =	vld [tilespmem:$0x80]  }
0x19: {  	v31 =	vld [tilespmem:$0x1B0]  }
0x1a: {  	v11 =	vld [tilespmem:$0x30]  }
0x1b: {  	v33 =	vld [tilespmem:$0x70]  }
0x1c: {  	v34 =	vld [tilespmem:$0x20]  }
0x1d: {  	v15 =	vld [tilespmem:$0x60]  }
0x1e: {  	v35 =	vld [tilespmem:$0x10]  }
0x1f: {  	v17 =	vld [tilespmem:$0xB0]  }
0x20: {  	v38 =	vld [tilespmem:$0x0];
	v5 =	vshra.s32 v0, $0x2  }
0x21: {  	v39 =	vld [tilespmem:$0x40];
	v0 =	vand.u32 $0x7FF, v0;
	v6 =	vshra.s32 v1, $0x2;
	v9 =	vand.u32 $0x7FF, v2  }
0x22: {  	v42 =	vld [tilespmem:$0x50];
	v2 =	vshra.s32 v2, $0x2;
	v1 =	vand.u32 $0x7FF, v1;
	v10 =	vand.u32 $0x7FF, v3  }
0x23: {  	v47 =	vld [tilespmem:$0xC0];
	v32 =	vshra.s32 v4, $0x2;
	v3 =	vshra.s32 v3, $0x2;
	v4 =	vand.u32 $0x7FF, v4  }
0x24: {  	v49 =	vld [tilespmem:$0xA0];
	v12 =	vshra.s32 v7, $0x2;
	v7 =	vand.u32 $0x7FF, v7;
	v13 =	vshra.s32 v8, $0x2  }
0x25: {  	v52 =	vld [tilespmem:$0x90];
	v8 =	vand.u32 $0x7FF, v8;
	v14 =	vand.u32 $0x7FF, v31;
	v16 =	vshra.s32 v11, $0x2  }
0x26: {  	v54 =	vld [tilespmem:$0x110];
	v37 =	vshra.s32 v33, $0x2;
	v11 =	vand.u32 $0x7FF, v11;
	v40 =	vshra.s32 v34, $0x2  }
0x27: {  	v41 =	vand.u32 $0x7FF, v15;
	v43 =	vshra.s32 v35, $0x2;
	v15 =	vshra.s32 v15, $0x2  }
0x28: {  	v44 =	vand.u32 $0x7FF, v35;
	v46 =	vand.u32 $0x7FF, v17;
	v50 =	vshra.s32 v17, $0x2  }
0x29: {  	v18 =	vld [tilespmem:$0xF0];
	v51 =	vshra.s32 v38, $0x2;
	v53 =	vshra.s32 v39, $0x2;
	v55 =	vshra.s32 v42, $0x2  }
0x2a: {  	v60 =	vld [tilespmem:$0xD0];
	v58 =	vand.u32 $0x7FF, v47;
	v59 =	vshra.s32 v49, $0x2;
	v61 =	vshra.s32 v52, $0x2  }
0x2b: {  	v56 =	vld [tilespmem:$0x100];
	v62 =	vand.u32 $0x7FF, v54;
	v19 =	vand.u32 $0x7FF, v49;
	v30 =	vand.u32 $0xFFFFF800, v6  }
0x2c: {  	v20 =	vshra.s32 v54, $0x2;
	v2 =	vand.u32 $0xFFFFF800, v2;
	v1 =	vor.u32 v1, v30  }
0x2d: {  	v22 =	vshra.s32 v47, $0x2;
	v5 =	vand.u32 $0xFFFFF800, v5;
	v2 =	vor.u32 v9, v2;
	[tilespmem:$0x1A0] =	vst v1  }
0x2e: {  	v23 =	vshra.s32 v18, $0x2;
	v13 =	vand.u32 $0xFFFFF800, v13;
	v0 =	vor.u32 v0, v5;
	[tilespmem:$0x140] =	vst v2  }
0x2f: {  	v25 =	vshra.s32 v60, $0x2;
	v3 =	vand.u32 $0xFFFFF800, v3;
	v8 =	vor.u32 v8, v13;
	[tilespmem:$0x190] =	vst v0  }
0x30: {  	v27 =	vand.u32 $0x7FF, v56;
	v12 =	vand.u32 $0xFFFFF800, v12;
	v3 =	vor.u32 v10, v3;
	[tilespmem:$0x80] =	vst v8  }
0x31: {  	v6 =	vshra.s32 v31, $0x2;
	v36 =	vand.u32 $0xFFFFF800, v16;
	v7 =	vor.u32 v7, v12;
	[tilespmem:$0x1E0] =	vst v3  }
0x32: {  	v16 =	vand.u32 $0xFFFFF800, v37;
	v45 =	vand.u32 $0xFFFFF800, v15;
	v10 =	vor.u32 v11, v36;
	[tilespmem:$0x1F0] =	vst v7  }
0x33: {  	v48 =	vand.u32 $0xFFFFF800, v43;
	v35 =	vand.u32 $0xFFFFF800, v20;
	v12 =	vor.u32 v41, v45;
	[tilespmem:$0x30] =	vst v10  }
0x34: {  	v63 =	vld [tilespmem:$0x180];
	v57 =	vand.u32 $0xFFFFF800, v55;
	v5 =	vand.u32 $0xFFFFF800, v32;
	v37 =	vor.u32 v62, v35;
	[tilespmem:$0x60] =	vst v12  }
0x35: {  	v26 =	vld [tilespmem:$0xE0];
	v29 =	vand.u32 $0xFFFFF800, v23;
	v6 =	vand.u32 $0xFFFFF800, v6;
	v4 =	vor.u32 v4, v5;
	[tilespmem:$0x110] =	vst v37  }
0x36: {  	v31 =	vand.u32 $0x7FF, v18;
	v9 =	vand.u32 $0x7FF, v33;
	v6 =	vor.u32 v14, v6;
	[tilespmem:$0x1D0] =	vst v4  }
0x37: {  	v11 =	vand.u32 $0xFFFFF800, v40;
	v9 =	vor.u32 v9, v16;
	v5 =	vand.u32 $0x7FF, v34;
	[tilespmem:$0x1B0] =	vst v6  }
0x38: {  	v30 =	vand.u32 $0x7FF, v60;
	v14 =	vand.u32 $0xFFFFF800, v50;
	v5 =	vor.u32 v5, v11;
	[tilespmem:$0x70] =	vst v9  }
0x39: {  	v21 =	vld [tilespmem:$0x170];
	v32 =	vand.u32 $0x7FF, v63;
	v40 =	vand.u32 $0xFFFFF800, v22;
	v14 =	vor.u32 v46, v14;
	[tilespmem:$0x20] =	vst v5  }
0x3a: {  	v41 =	vshra.s32 v26, $0x2;
	v0 =	vand.u32 $0x7FF, v42;
	v4 =	vor.u32 v44, v48;
	[tilespmem:$0xB0] =	vst v14  }
0x3b: {  	v2 =	vand.u32 $0x7FF, v39;
	v7 =	vand.u32 $0xFFFFF800, v53;
	v0 =	vor.u32 v0, v57;
	[tilespmem:$0x10] =	vst v4  }
0x3c: {  	v3 =	vand.u32 $0xFFFFF800, v51;
	v1 =	vand.u32 $0x7FF, v38;
	v2 =	vor.u32 v2, v7;
	[tilespmem:$0x50] =	vst v0  }
0x3d: {  	v34 =	vshra.s32 v56, $0x2;
	v38 =	vshra.s32 v63, $0x2;
	v24 =	vor.u32 v1, v3;
	[tilespmem:$0x40] =	vst v2  }
0x3e: {  	v43 =	vld [tilespmem:$0x130];
	v42 =	vshra.s32 v21, $0x2;
	v6 =	vand.u32 $0xFFFFF800, v59;
	v9 =	vor.u32 v58, v40;
	[tilespmem:$0x0] =	vst v24  }
0x3f: {  	v33 =	vld [tilespmem:$0x120];
	v11 =	vand.u32 $0x7FF, v52;
	v36 =	vand.u32 $0xFFFFF800, v34;
	v6 =	vor.u32 v19, v6;
	[tilespmem:$0xC0] =	vst v9  }
0x40: {  	v45 =	vld [tilespmem:$0x160];
	v1 =	vand.u32 $0xFFFFF800, v25;
	v44 =	vand.u32 $0xFFFFF800, v41;
	v2 =	vor.u32 v27, v36;
	[tilespmem:$0xA0] =	vst v6  }
0x41: {  	v3 =	vand.u32 $0x7FF, v26;
	v47 =	vand.u32 $0xFFFFF800, v38;
	v0 =	vor.u32 v30, v1;
	[tilespmem:$0x100] =	vst v2  }
0x42: {  	v39 =	vld [tilespmem:$0x150];
	v5 =	vand.u32 $0xFFFFF800, v61;
	v4 =	vand.u32 $0x7FF, v21;
	v3 =	vor.u32 v3, v44;
	[tilespmem:$0xD0] =	vst v0  }
0x43: {  	v28 =	vor.u32 v11, v5;
	v5 =	vor.u32 v31, v29;
	v6 =	vand.u32 $0xFFFFF800, v42;
	[tilespmem:$0xE0] =	vst v3  }
0x44: {  	v48 =	vld [tilespmem:$0x1C0];
	v55 =	vshra.s32 v43, $0x2;
	v62 =	vand.u32 $0x7FF, v43;
	[tilespmem:$0x90] =	vst v28;
	v4 =	vor.u32 v4, v6  }
0x45: {  	[tilespmem:$0xF0] =	vst v5;
	v46 =	vand.u32 $0x7FF, v33;
	v49 =	vshra.s32 v33, $0x2;
	v57 =	vshra.s32 v45, $0x2  }
0x46: {  	v58 =	vand.u32 $0x7FF, v45;
	v1 =	vand.u32 $0xFFFFF800, v55;
	[tilespmem:$0x170] =	vst v4;
	v4 =	vor.u32 v32, v47  }
0x47: {  	v50 =	vshra.s32 v39, $0x2;
	v53 =	vand.u32 $0xFFFFF800, v49;
	v1 =	vor.u32 v62, v1;
	[tilespmem:$0x180] =	vst v4  }
0x48: {  	v52 =	vand.u32 $0x7FF, v39;
	v0 =	vand.u32 $0xFFFFF800, v57;
	v56 =	vor.u32 v46, v53;
	[tilespmem:$0x130] =	vst v1  }
0x49: {  	v51 =	vand.u32 $0xFFFFF800, v50;
	v59 =	vshra.s32 v48, $0x2;
	v0 =	vor.u32 v58, v0;
	[tilespmem:$0x120] =	vst v56  }
0x4a: {  	v61 =	vand.u32 $0x7FF, v48;
	v54 =	vor.u32 v52, v51;
	v60 =	vand.u32 $0xFFFFF800, v59;
	[tilespmem:$0x160] =	vst v0  }
0x4b: {  	[tilespmem:$0x150] =	vst v54;
	v63 =	vor.u32 v61, v60  }
0x4c: {  	[tilespmem:$0x1C0] =	vst v63  }
0x4d: {  	[tilespmem:s6], [sflag:$0x1] =	stream.indirect.gather [hbm4b:s5+s8], $0x80, s1, s8, $0xb8;
	[tilespmem:$0x10200] =	vst v63  }
0x4e: {  	_ = 	snop  }
0x4f: {  	[tilespmem:s9], [sflag:$0x1] =	stream.indirect.gather [hbm4b:s5+s8], $0x80, s8, s8, $0xb8;
	[tilespmem:$0x10200] =	vst v63  }
0x50: {  	_ = 	snop  }
0x51: {  	[tilespmem:s11], [sflag:$0x1] =	stream.indirect.gather [hbm4b:s5+s8], $0x80, s10, s8, $0xb8;
	[tilespmem:$0x10200] =	vst v63  }
0x52: {  	_ = 	snop  }
0x53: {  	[tilespmem:s13], [sflag:$0x1] =	stream.indirect.gather [hbm4b:s5+s8], $0x80, s12, s8, $0xb8;
	[tilespmem:$0x10200] =	vst v63  }
0x54: {  	_ =	swait.ge [sflag:s7], $0x4000  }
0x55: {  	[sflag:s7] =	ssyncset.done $0x0  }
0x56: {  	[sflag:s7] =	ssyncadd.s32 $0xFFFFC000  }
0x57: {  	_ =	swait.ge [sflag:s7], $0x4000  }
0x58: {  	[sflag:s7] =	ssyncset.done $0x0  }
0x59: {  	[sflag:s7] =	ssyncadd.s32 $0xFFFFC000  }
0x5a: {  	_ =	swait.ge [sflag:s7], $0x4000  }
0x5b: {  	[sflag:s7] =	ssyncset.done $0x0  }
0x5c: {  	p1 =	sne.s32 s15, $0x1;
	[sflag:s7] =	ssyncadd.s32 $0xFFFFC000  }
.Ltmp1:
0x5d: {  	_ =	swait.ge [sflag:s7], $0x4000;
	(pc) =	sbr.rel @!p1 .LBB2_3-.Ltmp1, $4  }
0x5e: {  	[sflag:s7] =	ssyncset.done $0x0  }
0x5f: {  	[sflag:s7] =	ssyncadd.s32 $0xFFFFC000  }
0x60: {  	[hbm4b:s4+s1] =	stream.linear.scatter [tilespmem:s6], [sflag:$0x2], $0x10000, $0x38;
	[tilespmem:$0x10200] =	vst v63  }
0x61: {  	s15 =	sadd.s32 $0xFFFFFFFF, s15;
	p0 =	por $0x1, $0x1;
	_ =	swait.ge [sflag:s3], $0x10000  }
.LBB2_2:
0x62: {  	p1 =	sne.s32 s15, $0x1;
	s15 =	sadd.s32 $0xFFFFFFFF, s15;
	[sflag:s3] =	ssyncset.done $0x0  }
0x63: {  	[sflag:s3] =	ssyncadd.s32 $0xFFFF0000  }
0x64: {  	[tilespmem:s1], [sflag:$0x2] =	stream.linear.gather [hbm4b:s14+s1], $0x200, $0x38;
	[tilespmem:$0x10200] =	vst v63  }
0x65: {  	_ =	swait.ge [sflag:s3], $0x200  }
0x66: {  	[sflag:s3] =	ssyncset.done $0x0  }
0x67: {  	[sflag:s3] =	ssyncadd.s32 $0xFFFFFE00  }
0x68: {  	v0 =	vld [tilespmem:$0x190]  }
0x69: {  	v1 =	vld [tilespmem:$0x1A0]  }
0x6a: {  	v2 =	vld [tilespmem:$0x140]  }
0x6b: {  	v3 =	vld [tilespmem:$0x1E0]  }
0x6c: {  	v4 =	vld [tilespmem:$0x1D0]  }
0x6d: {  	v5 =	vshra.s32 v0, $0x2  }
0x6e: {  	v0 =	vand.u32 $0x7FF, v0;
	v5 =	vand.u32 $0xFFFFF800, v5;
	v6 =	vshra.s32 v1, $0x2;
	v7 =	vld [tilespmem:$0x1F0]  }
0x6f: {  	v8 =	vld [tilespmem:$0x80];
	v9 =	vand.u32 $0x7FF, v2;
	v0 =	vor.u32 v0, v5;
	v5 =	vand.u32 $0xFFFFF800, v6  }
0x70: {  	v1 =	vand.u32 $0x7FF, v1;
	v2 =	vshra.s32 v2, $0x2;
	v6 =	vld [tilespmem:$0x1B0];
	v10 =	vand.u32 $0x7FF, v3  }
0x71: {  	v2 =	vand.u32 $0xFFFFF800, v2;
	v1 =	vor.u32 v1, v5;
	v11 =	vld [tilespmem:$0x30];
	v5 =	vshra.s32 v4, $0x2  }
0x72: {  	v3 =	vshra.s32 v3, $0x2;
	v2 =	vor.u32 v9, v2;
	v12 =	vld [tilespmem:$0x70];
	[tilespmem:$0x1A0] =	vst v1;
	v1 =	vand.u32 $0xFFFFF800, v5  }
0x73: {  	[tilespmem:$0x140] =	vst v2;
	v2 =	vand.u32 $0x7FF, v4;
	v4 =	vshra.s32 v7, $0x2;
	v5 =	vand.u32 $0x7FF, v7  }
0x74: {  	v7 =	vld [tilespmem:$0x20];
	v9 =	vshra.s32 v8, $0x2;
	v1 =	vor.u32 v2, v1;
	v2 =	vand.u32 $0xFFFFF800, v3  }
0x75: {  	v8 =	vand.u32 $0x7FF, v8;
	v3 =	vand.u32 $0xFFFFF800, v9;
	[tilespmem:$0x190] =	vst v0;
	v0 =	vand.u32 $0x7FF, v6  }
0x76: {  	v6 =	vshra.s32 v6, $0x2;
	v9 =	vld [tilespmem:$0x60];
	v3 =	vor.u32 v8, v3;
	[tilespmem:$0x1D0] =	vst v1;
	v1 =	vand.u32 $0xFFFFF800, v4  }
0x77: {  	v2 =	vor.u32 v10, v2;
	v8 =	vshra.s32 v11, $0x2;
	v4 =	vld [tilespmem:$0x10];
	[tilespmem:$0x80] =	vst v3;
	v3 =	vand.u32 $0xFFFFF800, v6  }
0x78: {  	v6 =	vand.u32 $0xFFFFF800, v8;
	v8 =	vshra.s32 v12, $0x2;
	v10 =	vand.u32 $0x7FF, v12;
	v12 =	vld [tilespmem:$0xB0];
	[tilespmem:$0x1E0] =	vst v2  }
0x79: {  	v11 =	vand.u32 $0x7FF, v11;
	v1 =	vor.u32 v5, v1;
	v8 =	vand.u32 $0xFFFFF800, v8;
	v2 =	vld [tilespmem:$0x0]  }
0x7a: {  	v5 =	vor.u32 v11, v6;
	v0 =	vor.u32 v0, v3;
	v8 =	vor.u32 v10, v8;
	v6 =	vld [tilespmem:$0x40]  }
0x7b: {  	v3 =	vshra.s32 v7, $0x2;
	v7 =	vand.u32 $0x7FF, v7;
	v10 =	vld [tilespmem:$0x50];
	v11 =	vand.u32 $0x7FF, v9;
	[tilespmem:$0x1F0] =	vst v1  }
0x7c: {  	v3 =	vand.u32 $0xFFFFF800, v3;
	v1 =	vshra.s32 v4, $0x2;
	[tilespmem:$0x30] =	vst v5;
	v5 =	vshra.s32 v9, $0x2  }
0x7d: {  	v4 =	vand.u32 $0x7FF, v4;
	v5 =	vand.u32 $0xFFFFF800, v5;
	v9 =	vand.u32 $0x7FF, v12;
	v13 =	vld [tilespmem:$0xC0];
	[tilespmem:$0x1B0] =	vst v0  }
0x7e: {  	v0 =	vand.u32 $0xFFFFF800, v1;
	v1 =	vor.u32 v11, v5;
	[tilespmem:$0x70] =	vst v8;
	v5 =	vld [tilespmem:$0xA0];
	v8 =	vshra.s32 v12, $0x2  }
0x7f: {  	v3 =	vor.u32 v7, v3;
	v11 =	vshra.s32 v2, $0x2;
	v7 =	vld [tilespmem:$0x90];
	v8 =	vand.u32 $0xFFFFF800, v8  }
0x80: {  	v11 =	vand.u32 $0xFFFFF800, v11;
	[tilespmem:$0x20] =	vst v3;
	v3 =	vshra.s32 v6, $0x2;
	v8 =	vor.u32 v9, v8;
	v9 =	vld [tilespmem:$0x110]  }
0x81: {  	v2 =	vand.u32 $0x7FF, v2;
	v12 =	vshra.s32 v10, $0x2;
	v10 =	vand.u32 $0x7FF, v10;
	[tilespmem:$0x60] =	vst v1;
	v1 =	vld [tilespmem:$0x100]  }
0x82: {  	v6 =	vand.u32 $0x7FF, v6;
	v12 =	vand.u32 $0xFFFFF800, v12;
	v14 =	vand.u32 $0x7FF, v13;
	v15 =	vld [tilespmem:$0xF0]  }
0x83: {  	v3 =	vand.u32 $0xFFFFF800, v3;
	v10 =	vor.u32 v10, v12;
	v12 =	vshra.s32 v5, $0x2;
	v16 =	vld [tilespmem:$0xD0]  }
0x84: {  	v0 =	vor.u32 v4, v0;
	v3 =	vor.u32 v6, v3;
	v4 =	vshra.s32 v7, $0x2;
	[tilespmem:$0xB0] =	vst v8  }
0x85: {  	[tilespmem:$0x10] =	vst v0;
	v0 =	vand.u32 $0xFFFFF800, v4;
	v4 =	vand.u32 $0xFFFFF800, v12;
	v6 =	vand.u32 $0x7FF, v9;
	v8 =	vld [tilespmem:$0x180]  }
0x86: {  	v5 =	vand.u32 $0x7FF, v5;
	v7 =	vand.u32 $0x7FF, v7;
	v9 =	vshra.s32 v9, $0x2;
	[tilespmem:$0x50] =	vst v10;
	v10 =	vld [tilespmem:$0x170]  }
0x87: {  	v4 =	vor.u32 v5, v4;
	v5 =	vshra.s32 v13, $0x2;
	v12 =	vshra.s32 v15, $0x2;
	v13 =	vld [tilespmem:$0x120]  }
0x88: {  	v2 =	vor.u32 v2, v11;
	v17 =	vand.u32 $0x7FF, v1;
	[tilespmem:$0x40] =	vst v3;
	v3 =	vshra.s32 v16, $0x2;
	v11 =	vld [tilespmem:$0xE0]  }
0x89: {  	v0 =	vor.u32 v7, v0;
	[tilespmem:$0x0] =	vst v2;
	v2 =	vand.u32 $0xFFFFF800, v3;
	v3 =	vand.u32 $0xFFFFF800, v12  }
0x8a: {  	v7 =	vand.u32 $0x7FF, v15;
	[tilespmem:$0xA0] =	vst v4;
	v4 =	vand.u32 $0x7FF, v16;
	v12 =	vand.u32 $0x7FF, v8  }
0x8b: {  	v1 =	vshra.s32 v1, $0x2;
	v3 =	vor.u32 v7, v3;
	v7 =	vand.u32 $0xFFFFF800, v9  }
0x8c: {  	[tilespmem:$0x90] =	vst v0;
	v0 =	vand.u32 $0xFFFFF800, v1;
	v1 =	vor.u32 v6, v7;
	v6 =	vshra.s32 v8, $0x2  }
0x8d: {  	v5 =	vand.u32 $0xFFFFF800, v5;
	v8 =	vand.u32 $0x7FF, v10;
	v7 =	vshra.s32 v11, $0x2;
	[tilespmem:$0x110] =	vst v1;
	v1 =	vld [tilespmem:$0x150]  }
0x8e: {  	v5 =	vor.u32 v14, v5;
	v9 =	vshra.s32 v10, $0x2;
	v7 =	vand.u32 $0xFFFFF800, v7;
	[tilespmem:$0xF0] =	vst v3;
	v3 =	vld [tilespmem:$0x130]  }
0x8f: {  	v10 =	vand.u32 $0x7FF, v13;
	v9 =	vand.u32 $0xFFFFF800, v9;
	[tilespmem:$0xC0] =	vst v5;
	v5 =	vand.u32 $0x7FF, v11  }
0x90: {  	v8 =	vor.u32 v8, v9;
	v5 =	vor.u32 v5, v7;
	v7 =	vshra.s32 v13, $0x2;
	v11 =	vld [tilespmem:$0x160]  }
0x91: {  	v0 =	vor.u32 v17, v0;
	v6 =	vand.u32 $0xFFFFF800, v6;
	v7 =	vand.u32 $0xFFFFF800, v7;
	[tilespmem:$0x170] =	vst v8;
	v8 =	vld [tilespmem:$0x1C0]  }
0x92: {  	v2 =	vor.u32 v4, v2;
	v4 =	vor.u32 v12, v6;
	[tilespmem:$0x100] =	vst v0;
	v0 =	vshra.s32 v1, $0x2  }
0x93: {  	v1 =	vand.u32 $0x7FF, v1;
	v6 =	vshra.s32 v3, $0x2;
	v0 =	vand.u32 $0xFFFFF800, v0;
	[tilespmem:$0x180] =	vst v4  }
0x94: {  	v3 =	vand.u32 $0x7FF, v3;
	[tilespmem:$0xD0] =	vst v2;
	v2 =	vand.u32 $0xFFFFF800, v6;
	v0 =	vor.u32 v1, v0  }
0x95: {  	v1 =	vor.u32 v10, v7;
	v2 =	vor.u32 v3, v2;
	[tilespmem:$0x150] =	vst v0;
	v0 =	vshra.s32 v11, $0x2  }
0x96: {  	[tilespmem:$0x120] =	vst v1;
	v0 =	vand.u32 $0xFFFFF800, v0;
	v1 =	vand.u32 $0x7FF, v11;
	v3 =	vshra.s32 v8, $0x2  }
0x97: {  	[tilespmem:$0xE0] =	vst v5;
	v0 =	vor.u32 v1, v0;
	v1 =	vand.u32 $0xFFFFF800, v3;
	v3 =	vand.u32 $0x7FF, v8  }
0x98: {  	[tilespmem:$0x160] =	vst v0;
	v0 =	vor.u32 v3, v1  }
0x99: {  	[tilespmem:$0x1C0] =	vst v0  }
0x9a: {  	[tilespmem:$0x130] =	vst v2  }
0x9b: {  	[tilespmem:s6], [sflag:$0x1] =	stream.indirect.gather [hbm4b:s5+s8], $0x80, s1, s8, $0xb8;
	[tilespmem:$0x10200] =	vst v63  }
0x9c: {  	_ = 	snop  }
0x9d: {  	[tilespmem:s9], [sflag:$0x1] =	stream.indirect.gather [hbm4b:s5+s8], $0x80, s8, s8, $0xb8;
	[tilespmem:$0x10200] =	vst v63  }
0x9e: {  	_ = 	snop  }
0x9f: {  	[tilespmem:s11], [sflag:$0x1] =	stream.indirect.gather [hbm4b:s5+s8], $0x80, s10, s8, $0xb8;
	[tilespmem:$0x10200] =	vst v63  }
0xa0: {  	_ = 	snop  }
0xa1: {  	[tilespmem:s13], [sflag:$0x1] =	stream.indirect.gather [hbm4b:s5+s8], $0x80, s12, s8, $0xb8;
	[tilespmem:$0x10200] =	vst v63  }
0xa2: {  	_ =	swait.ge [sflag:s7], $0x4000  }
0xa3: {  	[sflag:s7] =	ssyncset.done $0x0  }
0xa4: {  	[sflag:s7] =	ssyncadd.s32 $0xFFFFC000  }
0xa5: {  	_ =	swait.ge [sflag:s7], $0x4000  }
0xa6: {  	[sflag:s7] =	ssyncset.done $0x0  }
0xa7: {  	[sflag:s7] =	ssyncadd.s32 $0xFFFFC000  }
0xa8: {  	_ =	swait.ge [sflag:s7], $0x4000  }
0xa9: {  	[sflag:s7] =	ssyncset.done $0x0  }
0xaa: {  	[sflag:s7] =	ssyncadd.s32 $0xFFFFC000  }
.Ltmp2:
0xab: {  	_ =	swait.ge [sflag:s7], $0x4000;
	(pc) =	sbr.rel @p1 .LBB2_2-.Ltmp2, $4  }
0xac: {  	[sflag:s7] =	ssyncset.done $0x0  }
0xad: {  	[sflag:s7] =	ssyncadd.s32 $0xFFFFC000  }
0xae: {  	[hbm4b:s4+s1] =	stream.linear.scatter [tilespmem:s6], [sflag:$0x2], $0x10000, $0x38;
	[tilespmem:$0x10200] =	vst v63  }
0xaf: {  	_ =	swait.ge [sflag:s3], $0x10000  }
.LBB2_3:
0xb0: {  	[sflag:s3] =	ssyncset.done @p0 $0x0  }
0xb1: {  	[sflag:s3] =	ssyncadd.s32 @p0 $0xFFFF0000  }
0xb2: {  	[tilespmem:s1], [sflag:$0x2] =	stream.linear.gather [hbm4b:s14+s1], $0x200, $0x38;
	[tilespmem:$0x10200] =	vst v63  }
0xb3: {  	_ =	swait.ge [sflag:s3], $0x200  }
0xb4: {  	[sflag:s3] =	ssyncset.done $0x0  }
0xb5: {  	[sflag:s3] =	ssyncadd.s32 $0xFFFFFE00  }
0xb6: {  	v0 =	vld [tilespmem:$0x190]  }
0xb7: {  	v1 =	vld [tilespmem:$0x1A0]  }
0xb8: {  	v2 =	vld [tilespmem:$0x140]  }
0xb9: {  	v3 =	vld [tilespmem:$0x1E0]  }
0xba: {  	v4 =	vld [tilespmem:$0x1D0]  }
0xbb: {  	v7 =	vld [tilespmem:$0x1F0]  }
0xbc: {  	v8 =	vld [tilespmem:$0x80]  }
0xbd: {  	v31 =	vld [tilespmem:$0x1B0]  }
0xbe: {  	v11 =	vld [tilespmem:$0x30]  }
0xbf: {  	v33 =	vld [tilespmem:$0x70]  }
0xc0: {  	v34 =	vld [tilespmem:$0x20]  }
0xc1: {  	v15 =	vld [tilespmem:$0x60]  }
0xc2: {  	v35 =	vld [tilespmem:$0x10]  }
0xc3: {  	v17 =	vld [tilespmem:$0xB0]  }
0xc4: {  	v38 =	vld [tilespmem:$0x0];
	v5 =	vshra.s32 v0, $0x2  }
0xc5: {  	v39 =	vld [tilespmem:$0x40];
	v0 =	vand.u32 $0x7FF, v0;
	v6 =	vshra.s32 v1, $0x2;
	v9 =	vand.u32 $0x7FF, v2  }
0xc6: {  	v42 =	vld [tilespmem:$0x50];
	v2 =	vshra.s32 v2, $0x2;
	v1 =	vand.u32 $0x7FF, v1;
	v10 =	vand.u32 $0x7FF, v3  }
0xc7: {  	v47 =	vld [tilespmem:$0xC0];
	v32 =	vshra.s32 v4, $0x2;
	v3 =	vshra.s32 v3, $0x2;
	v4 =	vand.u32 $0x7FF, v4  }
0xc8: {  	v49 =	vld [tilespmem:$0xA0];
	v12 =	vshra.s32 v7, $0x2;
	v7 =	vand.u32 $0x7FF, v7;
	v13 =	vshra.s32 v8, $0x2  }
0xc9: {  	v52 =	vld [tilespmem:$0x90];
	v8 =	vand.u32 $0x7FF, v8;
	v14 =	vand.u32 $0x7FF, v31;
	v16 =	vshra.s32 v11, $0x2  }
0xca: {  	v54 =	vld [tilespmem:$0x110];
	v37 =	vshra.s32 v33, $0x2;
	v11 =	vand.u32 $0x7FF, v11;
	v40 =	vshra.s32 v34, $0x2  }
0xcb: {  	v41 =	vand.u32 $0x7FF, v15;
	v43 =	vshra.s32 v35, $0x2;
	v15 =	vshra.s32 v15, $0x2  }
0xcc: {  	v44 =	vand.u32 $0x7FF, v35;
	v46 =	vand.u32 $0x7FF, v17;
	v50 =	vshra.s32 v17, $0x2  }
0xcd: {  	v18 =	vld [tilespmem:$0xF0];
	v51 =	vshra.s32 v38, $0x2;
	v53 =	vshra.s32 v39, $0x2;
	v55 =	vshra.s32 v42, $0x2  }
0xce: {  	v60 =	vld [tilespmem:$0xD0];
	v58 =	vand.u32 $0x7FF, v47;
	v59 =	vshra.s32 v49, $0x2;
	v61 =	vshra.s32 v52, $0x2  }
0xcf: {  	v56 =	vld [tilespmem:$0x100];
	v62 =	vand.u32 $0x7FF, v54;
	v19 =	vand.u32 $0x7FF, v49;
	v30 =	vand.u32 $0xFFFFF800, v6  }
0xd0: {  	v20 =	vshra.s32 v54, $0x2;
	v2 =	vand.u32 $0xFFFFF800, v2;
	v1 =	vor.u32 v1, v30  }
0xd1: {  	v22 =	vshra.s32 v47, $0x2;
	v5 =	vand.u32 $0xFFFFF800, v5;
	v2 =	vor.u32 v9, v2;
	[tilespmem:$0x1A0] =	vst v1  }
0xd2: {  	v23 =	vshra.s32 v18, $0x2;
	v13 =	vand.u32 $0xFFFFF800, v13;
	v0 =	vor.u32 v0, v5;
	[tilespmem:$0x140] =	vst v2  }
0xd3: {  	v25 =	vshra.s32 v60, $0x2;
	v3 =	vand.u32 $0xFFFFF800, v3;
	v8 =	vor.u32 v8, v13;
	[tilespmem:$0x190] =	vst v0  }
0xd4: {  	v27 =	vand.u32 $0x7FF, v56;
	v12 =	vand.u32 $0xFFFFF800, v12;
	v3 =	vor.u32 v10, v3;
	[tilespmem:$0x80] =	vst v8  }
0xd5: {  	v6 =	vshra.s32 v31, $0x2;
	v36 =	vand.u32 $0xFFFFF800, v16;
	v7 =	vor.u32 v7, v12;
	[tilespmem:$0x1E0] =	vst v3  }
0xd6: {  	v16 =	vand.u32 $0xFFFFF800, v37;
	v45 =	vand.u32 $0xFFFFF800, v15;
	v10 =	vor.u32 v11, v36;
	[tilespmem:$0x1F0] =	vst v7  }
0xd7: {  	v48 =	vand.u32 $0xFFFFF800, v43;
	v35 =	vand.u32 $0xFFFFF800, v20;
	v12 =	vor.u32 v41, v45;
	[tilespmem:$0x30] =	vst v10  }
0xd8: {  	v63 =	vld [tilespmem:$0x180];
	v57 =	vand.u32 $0xFFFFF800, v55;
	v5 =	vand.u32 $0xFFFFF800, v32;
	v37 =	vor.u32 v62, v35;
	[tilespmem:$0x60] =	vst v12  }
0xd9: {  	v26 =	vld [tilespmem:$0xE0];
	v29 =	vand.u32 $0xFFFFF800, v23;
	v6 =	vand.u32 $0xFFFFF800, v6;
	v4 =	vor.u32 v4, v5;
	[tilespmem:$0x110] =	vst v37  }
0xda: {  	v31 =	vand.u32 $0x7FF, v18;
	v9 =	vand.u32 $0x7FF, v33;
	v6 =	vor.u32 v14, v6;
	[tilespmem:$0x1D0] =	vst v4  }
0xdb: {  	v11 =	vand.u32 $0xFFFFF800, v40;
	v9 =	vor.u32 v9, v16;
	v5 =	vand.u32 $0x7FF, v34;
	[tilespmem:$0x1B0] =	vst v6  }
0xdc: {  	v30 =	vand.u32 $0x7FF, v60;
	v14 =	vand.u32 $0xFFFFF800, v50;
	v5 =	vor.u32 v5, v11;
	[tilespmem:$0x70] =	vst v9  }
0xdd: {  	v21 =	vld [tilespmem:$0x170];
	v32 =	vand.u32 $0x7FF, v63;
	v40 =	vand.u32 $0xFFFFF800, v22;
	v14 =	vor.u32 v46, v14;
	[tilespmem:$0x20] =	vst v5  }
0xde: {  	v41 =	vshra.s32 v26, $0x2;
	v0 =	vand.u32 $0x7FF, v42;
	v4 =	vor.u32 v44, v48;
	[tilespmem:$0xB0] =	vst v14  }
0xdf: {  	v2 =	vand.u32 $0x7FF, v39;
	v7 =	vand.u32 $0xFFFFF800, v53;
	v0 =	vor.u32 v0, v57;
	[tilespmem:$0x10] =	vst v4  }
0xe0: {  	v3 =	vand.u32 $0xFFFFF800, v51;
	v1 =	vand.u32 $0x7FF, v38;
	v2 =	vor.u32 v2, v7;
	[tilespmem:$0x50] =	vst v0  }
0xe1: {  	v34 =	vshra.s32 v56, $0x2;
	v38 =	vshra.s32 v63, $0x2;
	v24 =	vor.u32 v1, v3;
	[tilespmem:$0x40] =	vst v2  }
0xe2: {  	v43 =	vld [tilespmem:$0x130];
	v42 =	vshra.s32 v21, $0x2;
	v6 =	vand.u32 $0xFFFFF800, v59;
	v9 =	vor.u32 v58, v40;
	[tilespmem:$0x0] =	vst v24  }
0xe3: {  	v33 =	vld [tilespmem:$0x120];
	v11 =	vand.u32 $0x7FF, v52;
	v36 =	vand.u32 $0xFFFFF800, v34;
	v6 =	vor.u32 v19, v6;
	[tilespmem:$0xC0] =	vst v9  }
0xe4: {  	v45 =	vld [tilespmem:$0x160];
	v1 =	vand.u32 $0xFFFFF800, v25;
	v44 =	vand.u32 $0xFFFFF800, v41;
	v2 =	vor.u32 v27, v36;
	[tilespmem:$0xA0] =	vst v6  }
0xe5: {  	v3 =	vand.u32 $0x7FF, v26;
	v47 =	vand.u32 $0xFFFFF800, v38;
	v0 =	vor.u32 v30, v1;
	[tilespmem:$0x100] =	vst v2  }
0xe6: {  	v39 =	vld [tilespmem:$0x150];
	v5 =	vand.u32 $0xFFFFF800, v61;
	v4 =	vand.u32 $0x7FF, v21;
	v3 =	vor.u32 v3, v44;
	[tilespmem:$0xD0] =	vst v0  }
0xe7: {  	v28 =	vor.u32 v11, v5;
	v5 =	vor.u32 v31, v29;
	v6 =	vand.u32 $0xFFFFF800, v42;
	[tilespmem:$0xE0] =	vst v3  }
0xe8: {  	v48 =	vld [tilespmem:$0x1C0];
	v55 =	vshra.s32 v43, $0x2;
	v62 =	vand.u32 $0x7FF, v43;
	[tilespmem:$0x90] =	vst v28;
	v4 =	vor.u32 v4, v6  }
0xe9: {  	[tilespmem:$0xF0] =	vst v5;
	v46 =	vand.u32 $0x7FF, v33;
	v49 =	vshra.s32 v33, $0x2;
	v57 =	vshra.s32 v45, $0x2  }
0xea: {  	v58 =	vand.u32 $0x7FF, v45;
	v1 =	vand.u32 $0xFFFFF800, v55;
	[tilespmem:$0x170] =	vst v4;
	v4 =	vor.u32 v32, v47  }
0xeb: {  	v50 =	vshra.s32 v39, $0x2;
	v53 =	vand.u32 $0xFFFFF800, v49;
	v1 =	vor.u32 v62, v1;
	[tilespmem:$0x180] =	vst v4  }
0xec: {  	v52 =	vand.u32 $0x7FF, v39;
	v0 =	vand.u32 $0xFFFFF800, v57;
	v56 =	vor.u32 v46, v53;
	[tilespmem:$0x130] =	vst v1  }
0xed: {  	v51 =	vand.u32 $0xFFFFF800, v50;
	v59 =	vshra.s32 v48, $0x2;
	v0 =	vor.u32 v58, v0;
	[tilespmem:$0x120] =	vst v56  }
0xee: {  	v61 =	vand.u32 $0x7FF, v48;
	v54 =	vor.u32 v52, v51;
	v60 =	vand.u32 $0xFFFFF800, v59;
	[tilespmem:$0x160] =	vst v0  }
0xef: {  	[tilespmem:$0x150] =	vst v54;
	v63 =	vor.u32 v61, v60  }
0xf0: {  	[tilespmem:$0x1C0] =	vst v63  }
0xf1: {  	[tilespmem:s6], [sflag:$0x1] =	stream.indirect.gather [hbm4b:s5+s8], $0x80, s1, s8, $0xb8;
	[tilespmem:$0x10200] =	vst v63  }
0xf2: {  	_ = 	snop  }
0xf3: {  	[tilespmem:s9], [sflag:$0x1] =	stream.indirect.gather [hbm4b:s5+s8], $0x80, s8, s8, $0xb8;
	[tilespmem:$0x10200] =	vst v63  }
0xf4: {  	_ = 	snop  }
0xf5: {  	[tilespmem:s11], [sflag:$0x1] =	stream.indirect.gather [hbm4b:s5+s8], $0x80, s10, s8, $0xb8;
	[tilespmem:$0x10200] =	vst v63  }
0xf6: {  	_ = 	snop  }
0xf7: {  	[tilespmem:s13], [sflag:$0x1] =	stream.indirect.gather [hbm4b:s5+s8], $0x80, s12, s8, $0xb8;
	[tilespmem:$0x10200] =	vst v63  }
0xf8: {  	_ =	swait.ge [sflag:s7], $0x4000  }
0xf9: {  	[sflag:s7] =	ssyncset.done $0x0  }
0xfa: {  	[sflag:s7] =	ssyncadd.s32 $0xFFFFC000  }
0xfb: {  	_ =	swait.ge [sflag:s7], $0x4000  }
0xfc: {  	[sflag:s7] =	ssyncset.done $0x0  }
0xfd: {  	[sflag:s7] =	ssyncadd.s32 $0xFFFFC000  }
0xfe: {  	_ =	swait.ge [sflag:s7], $0x4000  }
0xff: {  	[sflag:s7] =	ssyncset.done $0x0  }
0x100: {  	[sflag:s7] =	ssyncadd.s32 $0xFFFFC000  }
0x101: {  	_ =	swait.ge [sflag:s7], $0x4000  }
0x102: {  	[sflag:s7] =	ssyncset.done $0x0  }
0x103: {  	[sflag:s7] =	ssyncadd.s32 $0xFFFFC000  }
0x104: {  	[hbm4b:s4+s1] =	stream.linear.scatter [tilespmem:s6], [sflag:$0x2], $0x10000, $0x38;
	[tilespmem:$0x10200] =	vst v63  }
0x105: {  	_ =	swait.ge [sflag:s3], $0x10000  }
0x106: {  	[sflag:s3] =	ssyncset.done $0x0  }
0x107: {  	[sflag:s3] =	ssyncadd.s32 $0xFFFF0000  }
0x108: {  	_ =	sfence.sel $0x180000  }
0x109: {  	[bflag:$0x0] =	sbarrier.arrive $0xFFFF  }
0x10a: {  	p0 =	sne.s32 s2, $0x0;
	_ =	strace $0x90000047  }
0x10b: {  	s0 =	sadd.s32 @!p0 $0x100000, s0;
	[bflag:$0x2] =	sbarrier.arrive $0xFFFF  }
0x10c: {  	[sflag:s0] =	ssyncadd.tile.s32 @!p0 $0x1;
	_ =	shalt  }
.Lfunc_end2:
_tile_overlayer_lowered:
.L_overlay_start_2:
0x10d: {  	(tag) =	ssettag $0x2  }
0x10e: {  	s0 =	rddreg [dreg:$0x0];
	s2 =	stileid.u32  }
0x10f: {  	s1 =	rddreg [dreg:$0x1];
	p0 =	sne.s32 s2, $0x0  }
0x110: {  	s3 =	rddreg [dreg:$0x2];
	[bflag:$0x3] =	sbarrier.arrive $0xFFFF;
	s2 =	simm.s32 @!p0 $0x1C02  }
0x111: {  	[timem:s3], [sflag:s2] =	dma.local @!p0 [hbm:s0], s1  }
0x112: {  	s0 =	simm.s32 @!p0 $0x2  }
0x113: {  	_ =	swait.ge @!p0 [sflag:s0], s1  }
0x114: {  	s1 =	ssub.s32 @!p0 $0x0, s1;
	[sflag:s0] =	ssyncset.done @!p0 $0x0  }
0x115: {  	[sflag:s0] =	ssyncadd.s32 @!p0 s1  }
0x116: {  	[bflag:$0x3] =	sbarrier.arrive $0xFFFF  }
0x117: {  	_ =	shalt  }

</sc_bundles>
